<compile_context>
chip_gen: v7x
topology: tpu7x:2x2x1
jax: 0.10.2.dev20260603
libtpu: 0.0.44.dev20260713+nightly
codegen_flags: <defaults>
</compile_context>

<pallas_src>
import functools

import jax
import jax.numpy as jnp
from jax import lax
from jax.experimental import pallas as pl
from jax.experimental.pallas import tpu as pltpu, tpu_sc as plsc

EMB_DIM = 128
TIMESTEPS = 1000
BATCH = 16384

_NUM_CORES = 2
_NUM_SUBCORES = 16
_NUM_WORKERS = _NUM_CORES * _NUM_SUBCORES
_B_PER_W = BATCH // _NUM_WORKERS
_N_CHUNKS = 8
_CHUNK = _B_PER_W // _N_CHUNKS


def _build_gather():
    mesh = plsc.VectorSubcoreMesh(core_axis_name="c", subcore_axis_name="s")

    @functools.partial(
        pl.kernel,
        out_type=jax.ShapeDtypeStruct((BATCH, EMB_DIM), jnp.float32),
        mesh=mesh,
        scratch_types=[
            pltpu.VMEM((_B_PER_W,), jnp.int32),
            pltpu.VMEM((_B_PER_W, EMB_DIM), jnp.float32),
            pltpu.VMEM_SHARED((TIMESTEPS, EMB_DIM), jnp.float32),
            pltpu.SemaphoreType.DMA((_N_CHUNKS,)),
            pltpu.SemaphoreType.DMA,
            pltpu.SemaphoreType.DMA,
        ],
    )
    def gather_kernel(table_hbm, idx_hbm, out_hbm, idx_v, rows_v, table_sp, gsems, ssem, isem):
        sid = lax.axis_index("s")
        wid = sid * _NUM_CORES + lax.axis_index("c")
        base = wid * _B_PER_W
        rows_lo = sid * 64
        n_rows = jnp.where(sid == _NUM_SUBCORES - 1, TIMESTEPS - 64 * (_NUM_SUBCORES - 1), 64)
        idx_cp = pltpu.async_copy(idx_hbm.at[pl.ds(base, _B_PER_W)], idx_v, isem)
        stage_cp = pltpu.async_copy(
            table_hbm.at[pl.ds(rows_lo, n_rows)],
            table_sp.at[pl.ds(rows_lo, n_rows)],
            ssem)
        idx_cp.wait()
        gathers = [pltpu.async_copy(
            table_hbm.at[idx_v.at[pl.ds(0, _CHUNK)]],
            rows_v.at[pl.ds(0, _CHUNK)],
            gsems.at[0])]
        stage_cp.wait()
        plsc.subcore_barrier()
        for c in range(1, _N_CHUNKS):
            lo = c * _CHUNK
            gathers.append(pltpu.async_copy(
                table_sp.at[idx_v.at[pl.ds(lo, _CHUNK)]],
                rows_v.at[pl.ds(lo, _CHUNK)],
                gsems.at[c]))
        scatters = []
        for c in range(_N_CHUNKS):
            lo = c * _CHUNK
            gathers[c].wait()
            scatters.append(pltpu.async_copy(
                rows_v.at[pl.ds(lo, _CHUNK)],
                out_hbm.at[pl.ds(base + lo, _CHUNK)],
                ssem))
        for s in scatters:
            s.wait()

    return gather_kernel


_gather = _build_gather()


@jax.jit
def kernel(timestep, embedding):
    return _gather(embedding, timestep)

# --- scband reference (transcript-rebuilt; emitter-appended) ---
"""Pipeline reference for scband-sinusoidal-positional-embedding-85641647882943 (READ-ONLY COPY).

The authoritative reference and input builder live on the scoring server;
editing this copy changes nothing except your own understanding.
"""

import jax, jax.numpy as jnp
import numpy as np

EMB_DIM = 128
TIMESTEPS = 1000
BATCH = 16384


def make_embedding(timesteps=TIMESTEPS, emb_dim=EMB_DIM):
    # Faithful reproduction of the torch buffer construction.
    position = np.arange(timesteps, dtype=np.float32)[:, None]
    div = np.exp(np.arange(0, emb_dim, 2, dtype=np.float32) * -(np.log(10000.0) / emb_dim))
    emb = np.zeros((timesteps, emb_dim), dtype=np.float32)
    emb[:, 0::2] = np.sin(position * div)
    emb[:, 1::2] = np.cos(position * div)
    return jnp.asarray(emb)


def setup_inputs(seed: int = 0) -> dict:
    key = jax.random.key(seed)
    timestep = jax.random.randint(key, (BATCH,), 0, TIMESTEPS, dtype=jnp.int32)
    embedding = make_embedding()
    return {"timestep": timestep, "embedding": embedding}


def reference(timestep, embedding):
    # embed = self.embedding[timestep]  (device move is a no-op in jax)
    embed = jnp.take(embedding, timestep, axis=0)
    return embed

if __name__ == "__main__":
    import jax
    _d = setup_inputs()
    print(jax.jit(kernel)(*tuple(_d.values())))

</pallas_src>

<mosaic_0001>
#map = affine_map<(d0, d1) -> (0, 0)>
#map1 = affine_map<(d0, d1) -> (0)>
module attributes {stable_mosaic.version = 14 : i64} {
  func.func @gather_kernel(%arg0: i32, %arg1: i32, %arg2: memref<1000x128xf32, #tpu.memory_space<hbm>>, %arg3: memref<16384xi32, #tpu.memory_space<hbm>>, %arg4: memref<16384x128xf32, #tpu.memory_space<hbm>>, %arg5: memref<512xi32, #tpu.memory_space<vmem>>, %arg6: memref<512x128xf32, #tpu.memory_space<vmem>>, %arg7: memref<1000x128xf32, #tpu.memory_space<vmem_shared>>, %arg8: memref<8x!tpu.dma_semaphore, #tpu.memory_space<semaphore_mem>>, %arg9: memref<!tpu.dma_semaphore, #tpu.memory_space<semaphore_mem>>, %arg10: memref<!tpu.dma_semaphore, #tpu.memory_space<semaphore_mem>>) attributes {dimension_semantics = [#tpu.dimension_semantics<core_parallel>, #tpu.dimension_semantics<subcore_parallel>], iteration_bounds = array<i64: 2, 16>, scalar_prefetch = 0 : i64, scratch_operands = 6 : i64, tpu.core_type = #tpu.core_type<sc_vector_subcore>, window_params = [{transform_indices = #map}, {transform_indices = #map1}, {transform_indices = #map}]} {
    %mul3A = arith.constant 2 : i32
    %mul3A_0 = arith.muli %arg1, %mul3A : i32
    %add3A = arith.addi %mul3A_0, %arg0 : i32
    %mul3A_1 = arith.constant 512 : i32
    %mul3A_2 = arith.muli %add3A, %mul3A_1 : i32
    %mul3A_3 = arith.constant 64 : i32
    %mul3A_4 = arith.muli %arg1, %mul3A_3 : i32
    %eq3A = arith.constant 15 : i32
    %eq3A_5 = arith.cmpi eq, %arg1, %eq3A : i32
    %jit3A = arith.constant 40 : i32
    %jit3A_6 = arith.constant 64 : i32
    %select_n3A = arith.select %eq3A_5, %jit3A, %jit3A_6 : i32
    %dma_start3A = tpu.memref_slice %arg3[%mul3A_2] : memref<16384xi32, #tpu.memory_space<hbm>> -> memref<512xi32, #tpu.memory_space<hbm>>
    %dma_start3A_7 = tpu.memref_slice %arg3[%mul3A_2] : memref<16384xi32, #tpu.memory_space<hbm>> -> memref<512xi32, #tpu.memory_space<hbm>>
    tpu.enqueue_dma source(%dma_start3A_7 : memref<512xi32, #tpu.memory_space<hbm>>) target(%arg5 : memref<512xi32, #tpu.memory_space<vmem>>) target_semaphore(%arg10 : memref<!tpu.dma_semaphore, #tpu.memory_space<semaphore_mem>>)
    %dma_start3A_8 = arith.constant 0 : i32
    %dma_start3A_9 = tpu.memref_slice %arg7[%mul3A_4, %dma_start3A_8] <%select_n3A> : memref<1000x128xf32, #tpu.memory_space<vmem_shared>> -> memref<?x128xf32, #tpu.memory_space<vmem_shared>>
    %dma_start3A_10 = arith.constant 0 : i32
    %dma_start3A_11 = tpu.memref_slice %arg2[%mul3A_4, %dma_start3A_10] <%select_n3A> : memref<1000x128xf32, #tpu.memory_space<hbm>> -> memref<?x128xf32, #tpu.memory_space<hbm>>
    tpu.enqueue_dma source(%dma_start3A_11 : memref<?x128xf32, #tpu.memory_space<hbm>>) target(%dma_start3A_9 : memref<?x128xf32, #tpu.memory_space<vmem_shared>>) target_semaphore(%arg9 : memref<!tpu.dma_semaphore, #tpu.memory_space<semaphore_mem>>)
    %dma_wait3A = tpu.memref_slice %arg3[%mul3A_2] : memref<16384xi32, #tpu.memory_space<hbm>> -> memref<512xi32, #tpu.memory_space<hbm>>
    %dma_wait3A_12 = tpu.memref_slice %arg3[%mul3A_2] : memref<16384xi32, #tpu.memory_space<hbm>> -> memref<512xi32, #tpu.memory_space<hbm>>
    tpu.wait_dma2 semaphore(%arg10 : memref<!tpu.dma_semaphore, #tpu.memory_space<semaphore_mem>>) src(%dma_wait3A_12 : memref<512xi32, #tpu.memory_space<hbm>>) dst(%arg5 : memref<512xi32, #tpu.memory_space<vmem>>)
    %dma_start3A_13 = arith.constant 0 : i32
    %dma_start3A_14 = arith.constant 0 : i32
    %dma_start3A_15 = arith.constant 0 : i32
    %dma_start3A_16 = tpu.memref_slice %arg6[%dma_start3A_14, %dma_start3A_15] : memref<512x128xf32, #tpu.memory_space<vmem>> -> memref<64x128xf32, #tpu.memory_space<vmem>>
    %dma_start3A_17 = arith.constant 0 : i32
    %dma_start3A_18 = tpu.memref_slice %arg5[%dma_start3A_17] : memref<512xi32, #tpu.memory_space<vmem>> -> memref<64xi32, #tpu.memory_space<vmem>>
    %dma_start3A_19 = arith.constant 0 : i32
    %dma_start3A_20 = arith.constant 0 : i32
    %dma_start3A_21 = tpu.memref_slice %arg2[%dma_start3A_19, %dma_start3A_20] : memref<1000x128xf32, #tpu.memory_space<hbm>> -> memref<1000x128xf32, #tpu.memory_space<hbm>>
    %dma_start3A_22 = tpu.memref_slice %arg8[%dma_start3A_13] : memref<8x!tpu.dma_semaphore, #tpu.memory_space<semaphore_mem>> -> memref<1x!tpu.dma_semaphore, #tpu.memory_space<semaphore_mem>>
    %dma_start3A_23 = tpu.memref_squeeze %dma_start3A_22 : memref<1x!tpu.dma_semaphore, #tpu.memory_space<semaphore_mem>> -> memref<!tpu.dma_semaphore, #tpu.memory_space<semaphore_mem>>
    tpu.enqueue_indirect_dma source(%dma_start3A_21 : memref<1000x128xf32, #tpu.memory_space<hbm>>) target(%dma_start3A_16 : memref<64x128xf32, #tpu.memory_space<vmem>>) offsets(%dma_start3A_18 : memref<64xi32, #tpu.memory_space<vmem>>) semaphore(%dma_start3A_23 : memref<!tpu.dma_semaphore, #tpu.memory_space<semaphore_mem>>)
    %dma_wait3A_24 = arith.constant 0 : i32
    %dma_wait3A_25 = tpu.memref_slice %arg7[%mul3A_4, %dma_wait3A_24] <%select_n3A> : memref<1000x128xf32, #tpu.memory_space<vmem_shared>> -> memref<?x128xf32, #tpu.memory_space<vmem_shared>>
    %dma_wait3A_26 = arith.constant 0 : i32
    %dma_wait3A_27 = tpu.memref_slice %arg2[%mul3A_4, %dma_wait3A_26] <%select_n3A> : memref<1000x128xf32, #tpu.memory_space<hbm>> -> memref<?x128xf32, #tpu.memory_space<hbm>>
    tpu.wait_dma2 semaphore(%arg9 : memref<!tpu.dma_semaphore, #tpu.memory_space<semaphore_mem>>) src(%dma_wait3A_27 : memref<?x128xf32, #tpu.memory_space<hbm>>) dst(%dma_wait3A_25 : memref<?x128xf32, #tpu.memory_space<vmem_shared>>)
    %barrier3A = arith.constant 0 : index
    tpu.barrier barrier_id(%barrier3A)
    %dma_start3A_28 = arith.constant 1 : i32
    %dma_start3A_29 = arith.constant 64 : i32
    %dma_start3A_30 = arith.constant 0 : i32
    %dma_start3A_31 = tpu.memref_slice %arg6[%dma_start3A_29, %dma_start3A_30] : memref<512x128xf32, #tpu.memory_space<vmem>> -> memref<64x128xf32, #tpu.memory_space<vmem>>
    %dma_start3A_32 = arith.constant 64 : i32
    %dma_start3A_33 = tpu.memref_slice %arg5[%dma_start3A_32] : memref<512xi32, #tpu.memory_space<vmem>> -> memref<64xi32, #tpu.memory_space<vmem>>
    %dma_start3A_34 = arith.constant 0 : i32
    %dma_start3A_35 = arith.constant 0 : i32
    %dma_start3A_36 = tpu.memref_slice %arg7[%dma_start3A_34, %dma_start3A_35] : memref<1000x128xf32, #tpu.memory_space<vmem_shared>> -> memref<1000x128xf32, #tpu.memory_space<vmem_shared>>
    %dma_start3A_37 = tpu.memref_slice %arg8[%dma_start3A_28] : memref<8x!tpu.dma_semaphore, #tpu.memory_space<semaphore_mem>> -> memref<1x!tpu.dma_semaphore, #tpu.memory_space<semaphore_mem>>
    %dma_start3A_38 = tpu.memref_squeeze %dma_start3A_37 : memref<1x!tpu.dma_semaphore, #tpu.memory_space<semaphore_mem>> -> memref<!tpu.dma_semaphore, #tpu.memory_space<semaphore_mem>>
    tpu.enqueue_indirect_dma source(%dma_start3A_36 : memref<1000x128xf32, #tpu.memory_space<vmem_shared>>) target(%dma_start3A_31 : memref<64x128xf32, #tpu.memory_space<vmem>>) offsets(%dma_start3A_33 : memref<64xi32, #tpu.memory_space<vmem>>) semaphore(%dma_start3A_38 : memref<!tpu.dma_semaphore, #tpu.memory_space<semaphore_mem>>)
    %dma_start3A_39 = arith.constant 2 : i32
    %dma_start3A_40 = arith.constant 128 : i32
    %dma_start3A_41 = arith.constant 0 : i32
    %dma_start3A_42 = tpu.memref_slice %arg6[%dma_start3A_40, %dma_start3A_41] : memref<512x128xf32, #tpu.memory_space<vmem>> -> memref<64x128xf32, #tpu.memory_space<vmem>>
    %dma_start3A_43 = arith.constant 128 : i32
    %dma_start3A_44 = tpu.memref_slice %arg5[%dma_start3A_43] : memref<512xi32, #tpu.memory_space<vmem>> -> memref<64xi32, #tpu.memory_space<vmem>>
    %dma_start3A_45 = arith.constant 0 : i32
    %dma_start3A_46 = arith.constant 0 : i32
    %dma_start3A_47 = tpu.memref_slice %arg7[%dma_start3A_45, %dma_start3A_46] : memref<1000x128xf32, #tpu.memory_space<vmem_shared>> -> memref<1000x128xf32, #tpu.memory_space<vmem_shared>>
    %dma_start3A_48 = tpu.memref_slice %arg8[%dma_start3A_39] : memref<8x!tpu.dma_semaphore, #tpu.memory_space<semaphore_mem>> -> memref<1x!tpu.dma_semaphore, #tpu.memory_space<semaphore_mem>>
    %dma_start3A_49 = tpu.memref_squeeze %dma_start3A_48 : memref<1x!tpu.dma_semaphore, #tpu.memory_space<semaphore_mem>> -> memref<!tpu.dma_semaphore, #tpu.memory_space<semaphore_mem>>
    tpu.enqueue_indirect_dma source(%dma_start3A_47 : memref<1000x128xf32, #tpu.memory_space<vmem_shared>>) target(%dma_start3A_42 : memref<64x128xf32, #tpu.memory_space<vmem>>) offsets(%dma_start3A_44 : memref<64xi32, #tpu.memory_space<vmem>>) semaphore(%dma_start3A_49 : memref<!tpu.dma_semaphore, #tpu.memory_space<semaphore_mem>>)
    %dma_start3A_50 = arith.constant 3 : i32
    %dma_start3A_51 = arith.constant 192 : i32
    %dma_start3A_52 = arith.constant 0 : i32
    %dma_start3A_53 = tpu.memref_slice %arg6[%dma_start3A_51, %dma_start3A_52] : memref<512x128xf32, #tpu.memory_space<vmem>> -> memref<64x128xf32, #tpu.memory_space<vmem>>
    %dma_start3A_54 = arith.constant 192 : i32
    %dma_start3A_55 = tpu.memref_slice %arg5[%dma_start3A_54] : memref<512xi32, #tpu.memory_space<vmem>> -> memref<64xi32, #tpu.memory_space<vmem>>
    %dma_start3A_56 = arith.constant 0 : i32
    %dma_start3A_57 = arith.constant 0 : i32
    %dma_start3A_58 = tpu.memref_slice %arg7[%dma_start3A_56, %dma_start3A_57] : memref<1000x128xf32, #tpu.memory_space<vmem_shared>> -> memref<1000x128xf32, #tpu.memory_space<vmem_shared>>
    %dma_start3A_59 = tpu.memref_slice %arg8[%dma_start3A_50] : memref<8x!tpu.dma_semaphore, #tpu.memory_space<semaphore_mem>> -> memref<1x!tpu.dma_semaphore, #tpu.memory_space<semaphore_mem>>
    %dma_start3A_60 = tpu.memref_squeeze %dma_start3A_59 : memref<1x!tpu.dma_semaphore, #tpu.memory_space<semaphore_mem>> -> memref<!tpu.dma_semaphore, #tpu.memory_space<semaphore_mem>>
    tpu.enqueue_indirect_dma source(%dma_start3A_58 : memref<1000x128xf32, #tpu.memory_space<vmem_shared>>) target(%dma_start3A_53 : memref<64x128xf32, #tpu.memory_space<vmem>>) offsets(%dma_start3A_55 : memref<64xi32, #tpu.memory_space<vmem>>) semaphore(%dma_start3A_60 : memref<!tpu.dma_semaphore, #tpu.memory_space<semaphore_mem>>)
    %dma_start3A_61 = arith.constant 4 : i32
    %dma_start3A_62 = arith.constant 256 : i32
    %dma_start3A_63 = arith.constant 0 : i32
    %dma_start3A_64 = tpu.memref_slice %arg6[%dma_start3A_62, %dma_start3A_63] : memref<512x128xf32, #tpu.memory_space<vmem>> -> memref<64x128xf32, #tpu.memory_space<vmem>>
    %dma_start3A_65 = arith.constant 256 : i32
    %dma_start3A_66 = tpu.memref_slice %arg5[%dma_start3A_65] : memref<512xi32, #tpu.memory_space<vmem>> -> memref<64xi32, #tpu.memory_space<vmem>>
    %dma_start3A_67 = arith.constant 0 : i32
    %dma_start3A_68 = arith.constant 0 : i32
    %dma_start3A_69 = tpu.memref_slice %arg7[%dma_start3A_67, %dma_start3A_68] : memref<1000x128xf32, #tpu.memory_space<vmem_shared>> -> memref<1000x128xf32, #tpu.memory_space<vmem_shared>>
    %dma_start3A_70 = tpu.memref_slice %arg8[%dma_start3A_61] : memref<8x!tpu.dma_semaphore, #tpu.memory_space<semaphore_mem>> -> memref<1x!tpu.dma_semaphore, #tpu.memory_space<semaphore_mem>>
    %dma_start3A_71 = tpu.memref_squeeze %dma_start3A_70 : memref<1x!tpu.dma_semaphore, #tpu.memory_space<semaphore_mem>> -> memref<!tpu.dma_semaphore, #tpu.memory_space<semaphore_mem>>
    tpu.enqueue_indirect_dma source(%dma_start3A_69 : memref<1000x128xf32, #tpu.memory_space<vmem_shared>>) target(%dma_start3A_64 : memref<64x128xf32, #tpu.memory_space<vmem>>) offsets(%dma_start3A_66 : memref<64xi32, #tpu.memory_space<vmem>>) semaphore(%dma_start3A_71 : memref<!tpu.dma_semaphore, #tpu.memory_space<semaphore_mem>>)
    %dma_start3A_72 = arith.constant 5 : i32
    %dma_start3A_73 = arith.constant 320 : i32
    %dma_start3A_74 = arith.constant 0 : i32
    %dma_start3A_75 = tpu.memref_slice %arg6[%dma_start3A_73, %dma_start3A_74] : memref<512x128xf32, #tpu.memory_space<vmem>> -> memref<64x128xf32, #tpu.memory_space<vmem>>
    %dma_start3A_76 = arith.constant 320 : i32
    %dma_start3A_77 = tpu.memref_slice %arg5[%dma_start3A_76] : memref<512xi32, #tpu.memory_space<vmem>> -> memref<64xi32, #tpu.memory_space<vmem>>
    %dma_start3A_78 = arith.constant 0 : i32
    %dma_start3A_79 = arith.constant 0 : i32
    %dma_start3A_80 = tpu.memref_slice %arg7[%dma_start3A_78, %dma_start3A_79] : memref<1000x128xf32, #tpu.memory_space<vmem_shared>> -> memref<1000x128xf32, #tpu.memory_space<vmem_shared>>
    %dma_start3A_81 = tpu.memref_slice %arg8[%dma_start3A_72] : memref<8x!tpu.dma_semaphore, #tpu.memory_space<semaphore_mem>> -> memref<1x!tpu.dma_semaphore, #tpu.memory_space<semaphore_mem>>
    %dma_start3A_82 = tpu.memref_squeeze %dma_start3A_81 : memref<1x!tpu.dma_semaphore, #tpu.memory_space<semaphore_mem>> -> memref<!tpu.dma_semaphore, #tpu.memory_space<semaphore_mem>>
    tpu.enqueue_indirect_dma source(%dma_start3A_80 : memref<1000x128xf32, #tpu.memory_space<vmem_shared>>) target(%dma_start3A_75 : memref<64x128xf32, #tpu.memory_space<vmem>>) offsets(%dma_start3A_77 : memref<64xi32, #tpu.memory_space<vmem>>) semaphore(%dma_start3A_82 : memref<!tpu.dma_semaphore, #tpu.memory_space<semaphore_mem>>)
    %dma_start3A_83 = arith.constant 6 : i32
    %dma_start3A_84 = arith.constant 384 : i32
    %dma_start3A_85 = arith.constant 0 : i32
    %dma_start3A_86 = tpu.memref_slice %arg6[%dma_start3A_84, %dma_start3A_85] : memref<512x128xf32, #tpu.memory_space<vmem>> -> memref<64x128xf32, #tpu.memory_space<vmem>>
    %dma_start3A_87 = arith.constant 384 : i32
    %dma_start3A_88 = tpu.memref_slice %arg5[%dma_start3A_87] : memref<512xi32, #tpu.memory_space<vmem>> -> memref<64xi32, #tpu.memory_space<vmem>>
    %dma_start3A_89 = arith.constant 0 : i32
    %dma_start3A_90 = arith.constant 0 : i32
    %dma_start3A_91 = tpu.memref_slice %arg7[%dma_start3A_89, %dma_start3A_90] : memref<1000x128xf32, #tpu.memory_space<vmem_shared>> -> memref<1000x128xf32, #tpu.memory_space<vmem_shared>>
    %dma_start3A_92 = tpu.memref_slice %arg8[%dma_start3A_83] : memref<8x!tpu.dma_semaphore, #tpu.memory_space<semaphore_mem>> -> memref<1x!tpu.dma_semaphore, #tpu.memory_space<semaphore_mem>>
    %dma_start3A_93 = tpu.memref_squeeze %dma_start3A_92 : memref<1x!tpu.dma_semaphore, #tpu.memory_space<semaphore_mem>> -> memref<!tpu.dma_semaphore, #tpu.memory_space<semaphore_mem>>
    tpu.enqueue_indirect_dma source(%dma_start3A_91 : memref<1000x128xf32, #tpu.memory_space<vmem_shared>>) target(%dma_start3A_86 : memref<64x128xf32, #tpu.memory_space<vmem>>) offsets(%dma_start3A_88 : memref<64xi32, #tpu.memory_space<vmem>>) semaphore(%dma_start3A_93 : memref<!tpu.dma_semaphore, #tpu.memory_space<semaphore_mem>>)
    %dma_start3A_94 = arith.constant 7 : i32
    %dma_start3A_95 = arith.constant 448 : i32
    %dma_start3A_96 = arith.constant 0 : i32
    %dma_start3A_97 = tpu.memref_slice %arg6[%dma_start3A_95, %dma_start3A_96] : memref<512x128xf32, #tpu.memory_space<vmem>> -> memref<64x128xf32, #tpu.memory_space<vmem>>
    %dma_start3A_98 = arith.constant 448 : i32
    %dma_start3A_99 = tpu.memref_slice %arg5[%dma_start3A_98] : memref<512xi32, #tpu.memory_space<vmem>> -> memref<64xi32, #tpu.memory_space<vmem>>
    %dma_start3A_100 = arith.constant 0 : i32
    %dma_start3A_101 = arith.constant 0 : i32
    %dma_start3A_102 = tpu.memref_slice %arg7[%dma_start3A_100, %dma_start3A_101] : memref<1000x128xf32, #tpu.memory_space<vmem_shared>> -> memref<1000x128xf32, #tpu.memory_space<vmem_shared>>
    %dma_start3A_103 = tpu.memref_slice %arg8[%dma_start3A_94] : memref<8x!tpu.dma_semaphore, #tpu.memory_space<semaphore_mem>> -> memref<1x!tpu.dma_semaphore, #tpu.memory_space<semaphore_mem>>
    %dma_start3A_104 = tpu.memref_squeeze %dma_start3A_103 : memref<1x!tpu.dma_semaphore, #tpu.memory_space<semaphore_mem>> -> memref<!tpu.dma_semaphore, #tpu.memory_space<semaphore_mem>>
    tpu.enqueue_indirect_dma source(%dma_start3A_102 : memref<1000x128xf32, #tpu.memory_space<vmem_shared>>) target(%dma_start3A_97 : memref<64x128xf32, #tpu.memory_space<vmem>>) offsets(%dma_start3A_99 : memref<64xi32, #tpu.memory_space<vmem>>) semaphore(%dma_start3A_104 : memref<!tpu.dma_semaphore, #tpu.memory_space<semaphore_mem>>)
    %dma_wait3A_105 = arith.constant 0 : i32
    %dma_wait3A_106 = arith.constant 0 : i32
    %dma_wait3A_107 = arith.constant 0 : i32
    %dma_wait3A_108 = tpu.memref_slice %arg6[%dma_wait3A_106, %dma_wait3A_107] : memref<512x128xf32, #tpu.memory_space<vmem>> -> memref<64x128xf32, #tpu.memory_space<vmem>>
    %dma_wait3A_109 = arith.constant 0 : i32
    %dma_wait3A_110 = tpu.memref_slice %arg5[%dma_wait3A_109] : memref<512xi32, #tpu.memory_space<vmem>> -> memref<64xi32, #tpu.memory_space<vmem>>
    %dma_wait3A_111 = arith.constant 0 : i32
    %dma_wait3A_112 = arith.constant 0 : i32
    %dma_wait3A_113 = tpu.memref_slice %arg2[%dma_wait3A_111, %dma_wait3A_112] : memref<1000x128xf32, #tpu.memory_space<hbm>> -> memref<1000x128xf32, #tpu.memory_space<hbm>>
    %dma_wait3A_114 = tpu.memref_slice %arg8[%dma_wait3A_105] : memref<8x!tpu.dma_semaphore, #tpu.memory_space<semaphore_mem>> -> memref<1x!tpu.dma_semaphore, #tpu.memory_space<semaphore_mem>>
    %dma_wait3A_115 = tpu.memref_squeeze %dma_wait3A_114 : memref<1x!tpu.dma_semaphore, #tpu.memory_space<semaphore_mem>> -> memref<!tpu.dma_semaphore, #tpu.memory_space<semaphore_mem>>
    tpu.wait_indirect_dma semaphore(%dma_wait3A_115 : memref<!tpu.dma_semaphore, #tpu.memory_space<semaphore_mem>>) src(%dma_wait3A_113 : memref<1000x128xf32, #tpu.memory_space<hbm>>) dst(%dma_wait3A_108 : memref<64x128xf32, #tpu.memory_space<vmem>>)
    %add3A_116 = arith.constant 0 : i32
    %add3A_117 = arith.addi %mul3A_2, %add3A_116 : i32
    %dma_start3A_118 = arith.constant 0 : i32
    %dma_start3A_119 = arith.constant 0 : i32
    %dma_start3A_120 = tpu.memref_slice %arg6[%dma_start3A_118, %dma_start3A_119] : memref<512x128xf32, #tpu.memory_space<vmem>> -> memref<64x128xf32, #tpu.memory_space<vmem>>
    %dma_start3A_121 = arith.constant 0 : i32
    %dma_start3A_122 = tpu.memref_slice %arg4[%add3A_117, %dma_start3A_121] : memref<16384x128xf32, #tpu.memory_space<hbm>> -> memref<64x128xf32, #tpu.memory_space<hbm>>
    %dma_start3A_123 = arith.constant 0 : i32
    %dma_start3A_124 = tpu.memref_slice %arg4[%add3A_117, %dma_start3A_123] : memref<16384x128xf32, #tpu.memory_space<hbm>> -> memref<64x128xf32, #tpu.memory_space<hbm>>
    %dma_start3A_125 = arith.constant 0 : i32
    %dma_start3A_126 = arith.constant 0 : i32
    %dma_start3A_127 = tpu.memref_slice %arg6[%dma_start3A_125, %dma_start3A_126] : memref<512x128xf32, #tpu.memory_space<vmem>> -> memref<64x128xf32, #tpu.memory_space<vmem>>
    tpu.enqueue_dma source(%dma_start3A_127 : memref<64x128xf32, #tpu.memory_space<vmem>>) target(%dma_start3A_124 : memref<64x128xf32, #tpu.memory_space<hbm>>) target_semaphore(%arg9 : memref<!tpu.dma_semaphore, #tpu.memory_space<semaphore_mem>>)
    %dma_wait3A_128 = arith.constant 1 : i32
    %dma_wait3A_129 = arith.constant 64 : i32
    %dma_wait3A_130 = arith.constant 0 : i32
    %dma_wait3A_131 = tpu.memref_slice %arg6[%dma_wait3A_129, %dma_wait3A_130] : memref<512x128xf32, #tpu.memory_space<vmem>> -> memref<64x128xf32, #tpu.memory_space<vmem>>
    %dma_wait3A_132 = arith.constant 64 : i32
    %dma_wait3A_133 = tpu.memref_slice %arg5[%dma_wait3A_132] : memref<512xi32, #tpu.memory_space<vmem>> -> memref<64xi32, #tpu.memory_space<vmem>>
    %dma_wait3A_134 = arith.constant 0 : i32
    %dma_wait3A_135 = arith.constant 0 : i32
    %dma_wait3A_136 = tpu.memref_slice %arg7[%dma_wait3A_134, %dma_wait3A_135] : memref<1000x128xf32, #tpu.memory_space<vmem_shared>> -> memref<1000x128xf32, #tpu.memory_space<vmem_shared>>
    %dma_wait3A_137 = tpu.memref_slice %arg8[%dma_wait3A_128] : memref<8x!tpu.dma_semaphore, #tpu.memory_space<semaphore_mem>> -> memref<1x!tpu.dma_semaphore, #tpu.memory_space<semaphore_mem>>
    %dma_wait3A_138 = tpu.memref_squeeze %dma_wait3A_137 : memref<1x!tpu.dma_semaphore, #tpu.memory_space<semaphore_mem>> -> memref<!tpu.dma_semaphore, #tpu.memory_space<semaphore_mem>>
    tpu.wait_indirect_dma semaphore(%dma_wait3A_138 : memref<!tpu.dma_semaphore, #tpu.memory_space<semaphore_mem>>) src(%dma_wait3A_136 : memref<1000x128xf32, #tpu.memory_space<vmem_shared>>) dst(%dma_wait3A_131 : memref<64x128xf32, #tpu.memory_space<vmem>>)
    %add3A_139 = arith.constant 64 : i32
    %add3A_140 = arith.addi %mul3A_2, %add3A_139 : i32
    %dma_start3A_141 = arith.constant 64 : i32
    %dma_start3A_142 = arith.constant 0 : i32
    %dma_start3A_143 = tpu.memref_slice %arg6[%dma_start3A_141, %dma_start3A_142] : memref<512x128xf32, #tpu.memory_space<vmem>> -> memref<64x128xf32, #tpu.memory_space<vmem>>
    %dma_start3A_144 = arith.constant 0 : i32
    %dma_start3A_145 = tpu.memref_slice %arg4[%add3A_140, %dma_start3A_144] : memref<16384x128xf32, #tpu.memory_space<hbm>> -> memref<64x128xf32, #tpu.memory_space<hbm>>
    %dma_start3A_146 = arith.constant 0 : i32
    %dma_start3A_147 = tpu.memref_slice %arg4[%add3A_140, %dma_start3A_146] : memref<16384x128xf32, #tpu.memory_space<hbm>> -> memref<64x128xf32, #tpu.memory_space<hbm>>
    %dma_start3A_148 = arith.constant 64 : i32
    %dma_start3A_149 = arith.constant 0 : i32
    %dma_start3A_150 = tpu.memref_slice %arg6[%dma_start3A_148, %dma_start3A_149] : memref<512x128xf32, #tpu.memory_space<vmem>> -> memref<64x128xf32, #tpu.memory_space<vmem>>
    tpu.enqueue_dma source(%dma_start3A_150 : memref<64x128xf32, #tpu.memory_space<vmem>>) target(%dma_start3A_147 : memref<64x128xf32, #tpu.memory_space<hbm>>) target_semaphore(%arg9 : memref<!tpu.dma_semaphore, #tpu.memory_space<semaphore_mem>>)
    %dma_wait3A_151 = arith.constant 2 : i32
    %dma_wait3A_152 = arith.constant 128 : i32
    %dma_wait3A_153 = arith.constant 0 : i32
    %dma_wait3A_154 = tpu.memref_slice %arg6[%dma_wait3A_152, %dma_wait3A_153] : memref<512x128xf32, #tpu.memory_space<vmem>> -> memref<64x128xf32, #tpu.memory_space<vmem>>
    %dma_wait3A_155 = arith.constant 128 : i32
    %dma_wait3A_156 = tpu.memref_slice %arg5[%dma_wait3A_155] : memref<512xi32, #tpu.memory_space<vmem>> -> memref<64xi32, #tpu.memory_space<vmem>>
    %dma_wait3A_157 = arith.constant 0 : i32
    %dma_wait3A_158 = arith.constant 0 : i32
    %dma_wait3A_159 = tpu.memref_slice %arg7[%dma_wait3A_157, %dma_wait3A_158] : memref<1000x128xf32, #tpu.memory_space<vmem_shared>> -> memref<1000x128xf32, #tpu.memory_space<vmem_shared>>
    %dma_wait3A_160 = tpu.memref_slice %arg8[%dma_wait3A_151] : memref<8x!tpu.dma_semaphore, #tpu.memory_space<semaphore_mem>> -> memref<1x!tpu.dma_semaphore, #tpu.memory_space<semaphore_mem>>
    %dma_wait3A_161 = tpu.memref_squeeze %dma_wait3A_160 : memref<1x!tpu.dma_semaphore, #tpu.memory_space<semaphore_mem>> -> memref<!tpu.dma_semaphore, #tpu.memory_space<semaphore_mem>>
    tpu.wait_indirect_dma semaphore(%dma_wait3A_161 : memref<!tpu.dma_semaphore, #tpu.memory_space<semaphore_mem>>) src(%dma_wait3A_159 : memref<1000x128xf32, #tpu.memory_space<vmem_shared>>) dst(%dma_wait3A_154 : memref<64x128xf32, #tpu.memory_space<vmem>>)
    %add3A_162 = arith.constant 128 : i32
    %add3A_163 = arith.addi %mul3A_2, %add3A_162 : i32
    %dma_start3A_164 = arith.constant 128 : i32
    %dma_start3A_165 = arith.constant 0 : i32
    %dma_start3A_166 = tpu.memref_slice %arg6[%dma_start3A_164, %dma_start3A_165] : memref<512x128xf32, #tpu.memory_space<vmem>> -> memref<64x128xf32, #tpu.memory_space<vmem>>
    %dma_start3A_167 = arith.constant 0 : i32
    %dma_start3A_168 = tpu.memref_slice %arg4[%add3A_163, %dma_start3A_167] : memref<16384x128xf32, #tpu.memory_space<hbm>> -> memref<64x128xf32, #tpu.memory_space<hbm>>
    %dma_start3A_169 = arith.constant 0 : i32
    %dma_start3A_170 = tpu.memref_slice %arg4[%add3A_163, %dma_start3A_169] : memref<16384x128xf32, #tpu.memory_space<hbm>> -> memref<64x128xf32, #tpu.memory_space<hbm>>
    %dma_start3A_171 = arith.constant 128 : i32
    %dma_start3A_172 = arith.constant 0 : i32
    %dma_start3A_173 = tpu.memref_slice %arg6[%dma_start3A_171, %dma_start3A_172] : memref<512x128xf32, #tpu.memory_space<vmem>> -> memref<64x128xf32, #tpu.memory_space<vmem>>
    tpu.enqueue_dma source(%dma_start3A_173 : memref<64x128xf32, #tpu.memory_space<vmem>>) target(%dma_start3A_170 : memref<64x128xf32, #tpu.memory_space<hbm>>) target_semaphore(%arg9 : memref<!tpu.dma_semaphore, #tpu.memory_space<semaphore_mem>>)
    %dma_wait3A_174 = arith.constant 3 : i32
    %dma_wait3A_175 = arith.constant 192 : i32
    %dma_wait3A_176 = arith.constant 0 : i32
    %dma_wait3A_177 = tpu.memref_slice %arg6[%dma_wait3A_175, %dma_wait3A_176] : memref<512x128xf32, #tpu.memory_space<vmem>> -> memref<64x128xf32, #tpu.memory_space<vmem>>
    %dma_wait3A_178 = arith.constant 192 : i32
    %dma_wait3A_179 = tpu.memref_slice %arg5[%dma_wait3A_178] : memref<512xi32, #tpu.memory_space<vmem>> -> memref<64xi32, #tpu.memory_space<vmem>>
    %dma_wait3A_180 = arith.constant 0 : i32
    %dma_wait3A_181 = arith.constant 0 : i32
    %dma_wait3A_182 = tpu.memref_slice %arg7[%dma_wait3A_180, %dma_wait3A_181] : memref<1000x128xf32, #tpu.memory_space<vmem_shared>> -> memref<1000x128xf32, #tpu.memory_space<vmem_shared>>
    %dma_wait3A_183 = tpu.memref_slice %arg8[%dma_wait3A_174] : memref<8x!tpu.dma_semaphore, #tpu.memory_space<semaphore_mem>> -> memref<1x!tpu.dma_semaphore, #tpu.memory_space<semaphore_mem>>
    %dma_wait3A_184 = tpu.memref_squeeze %dma_wait3A_183 : memref<1x!tpu.dma_semaphore, #tpu.memory_space<semaphore_mem>> -> memref<!tpu.dma_semaphore, #tpu.memory_space<semaphore_mem>>
    tpu.wait_indirect_dma semaphore(%dma_wait3A_184 : memref<!tpu.dma_semaphore, #tpu.memory_space<semaphore_mem>>) src(%dma_wait3A_182 : memref<1000x128xf32, #tpu.memory_space<vmem_shared>>) dst(%dma_wait3A_177 : memref<64x128xf32, #tpu.memory_space<vmem>>)
    %add3A_185 = arith.constant 192 : i32
    %add3A_186 = arith.addi %mul3A_2, %add3A_185 : i32
    %dma_start3A_187 = arith.constant 192 : i32
    %dma_start3A_188 = arith.constant 0 : i32
    %dma_start3A_189 = tpu.memref_slice %arg6[%dma_start3A_187, %dma_start3A_188] : memref<512x128xf32, #tpu.memory_space<vmem>> -> memref<64x128xf32, #tpu.memory_space<vmem>>
    %dma_start3A_190 = arith.constant 0 : i32
    %dma_start3A_191 = tpu.memref_slice %arg4[%add3A_186, %dma_start3A_190] : memref<16384x128xf32, #tpu.memory_space<hbm>> -> memref<64x128xf32, #tpu.memory_space<hbm>>
    %dma_start3A_192 = arith.constant 0 : i32
    %dma_start3A_193 = tpu.memref_slice %arg4[%add3A_186, %dma_start3A_192] : memref<16384x128xf32, #tpu.memory_space<hbm>> -> memref<64x128xf32, #tpu.memory_space<hbm>>
    %dma_start3A_194 = arith.constant 192 : i32
    %dma_start3A_195 = arith.constant 0 : i32
    %dma_start3A_196 = tpu.memref_slice %arg6[%dma_start3A_194, %dma_start3A_195] : memref<512x128xf32, #tpu.memory_space<vmem>> -> memref<64x128xf32, #tpu.memory_space<vmem>>
    tpu.enqueue_dma source(%dma_start3A_196 : memref<64x128xf32, #tpu.memory_space<vmem>>) target(%dma_start3A_193 : memref<64x128xf32, #tpu.memory_space<hbm>>) target_semaphore(%arg9 : memref<!tpu.dma_semaphore, #tpu.memory_space<semaphore_mem>>)
    %dma_wait3A_197 = arith.constant 4 : i32
    %dma_wait3A_198 = arith.constant 256 : i32
    %dma_wait3A_199 = arith.constant 0 : i32
    %dma_wait3A_200 = tpu.memref_slice %arg6[%dma_wait3A_198, %dma_wait3A_199] : memref<512x128xf32, #tpu.memory_space<vmem>> -> memref<64x128xf32, #tpu.memory_space<vmem>>
    %dma_wait3A_201 = arith.constant 256 : i32
    %dma_wait3A_202 = tpu.memref_slice %arg5[%dma_wait3A_201] : memref<512xi32, #tpu.memory_space<vmem>> -> memref<64xi32, #tpu.memory_space<vmem>>
    %dma_wait3A_203 = arith.constant 0 : i32
    %dma_wait3A_204 = arith.constant 0 : i32
    %dma_wait3A_205 = tpu.memref_slice %arg7[%dma_wait3A_203, %dma_wait3A_204] : memref<1000x128xf32, #tpu.memory_space<vmem_shared>> -> memref<1000x128xf32, #tpu.memory_space<vmem_shared>>
    %dma_wait3A_206 = tpu.memref_slice %arg8[%dma_wait3A_197] : memref<8x!tpu.dma_semaphore, #tpu.memory_space<semaphore_mem>> -> memref<1x!tpu.dma_semaphore, #tpu.memory_space<semaphore_mem>>
    %dma_wait3A_207 = tpu.memref_squeeze %dma_wait3A_206 : memref<1x!tpu.dma_semaphore, #tpu.memory_space<semaphore_mem>> -> memref<!tpu.dma_semaphore, #tpu.memory_space<semaphore_mem>>
    tpu.wait_indirect_dma semaphore(%dma_wait3A_207 : memref<!tpu.dma_semaphore, #tpu.memory_space<semaphore_mem>>) src(%dma_wait3A_205 : memref<1000x128xf32, #tpu.memory_space<vmem_shared>>) dst(%dma_wait3A_200 : memref<64x128xf32, #tpu.memory_space<vmem>>)
    %add3A_208 = arith.constant 256 : i32
    %add3A_209 = arith.addi %mul3A_2, %add3A_208 : i32
    %dma_start3A_210 = arith.constant 256 : i32
    %dma_start3A_211 = arith.constant 0 : i32
    %dma_start3A_212 = tpu.memref_slice %arg6[%dma_start3A_210, %dma_start3A_211] : memref<512x128xf32, #tpu.memory_space<vmem>> -> memref<64x128xf32, #tpu.memory_space<vmem>>
    %dma_start3A_213 = arith.constant 0 : i32
    %dma_start3A_214 = tpu.memref_slice %arg4[%add3A_209, %dma_start3A_213] : memref<16384x128xf32, #tpu.memory_space<hbm>> -> memref<64x128xf32, #tpu.memory_space<hbm>>
    %dma_start3A_215 = arith.constant 0 : i32
    %dma_start3A_216 = tpu.memref_slice %arg4[%add3A_209, %dma_start3A_215] : memref<16384x128xf32, #tpu.memory_space<hbm>> -> memref<64x128xf32, #tpu.memory_space<hbm>>
    %dma_start3A_217 = arith.constant 256 : i32
    %dma_start3A_218 = arith.constant 0 : i32
    %dma_start3A_219 = tpu.memref_slice %arg6[%dma_start3A_217, %dma_start3A_218] : memref<512x128xf32, #tpu.memory_space<vmem>> -> memref<64x128xf32, #tpu.memory_space<vmem>>
    tpu.enqueue_dma source(%dma_start3A_219 : memref<64x128xf32, #tpu.memory_space<vmem>>) target(%dma_start3A_216 : memref<64x128xf32, #tpu.memory_space<hbm>>) target_semaphore(%arg9 : memref<!tpu.dma_semaphore, #tpu.memory_space<semaphore_mem>>)
    %dma_wait3A_220 = arith.constant 5 : i32
    %dma_wait3A_221 = arith.constant 320 : i32
    %dma_wait3A_222 = arith.constant 0 : i32
    %dma_wait3A_223 = tpu.memref_slice %arg6[%dma_wait3A_221, %dma_wait3A_222] : memref<512x128xf32, #tpu.memory_space<vmem>> -> memref<64x128xf32, #tpu.memory_space<vmem>>
    %dma_wait3A_224 = arith.constant 320 : i32
    %dma_wait3A_225 = tpu.memref_slice %arg5[%dma_wait3A_224] : memref<512xi32, #tpu.memory_space<vmem>> -> memref<64xi32, #tpu.memory_space<vmem>>
    %dma_wait3A_226 = arith.constant 0 : i32
    %dma_wait3A_227 = arith.constant 0 : i32
    %dma_wait3A_228 = tpu.memref_slice %arg7[%dma_wait3A_226, %dma_wait3A_227] : memref<1000x128xf32, #tpu.memory_space<vmem_shared>> -> memref<1000x128xf32, #tpu.memory_space<vmem_shared>>
    %dma_wait3A_229 = tpu.memref_slice %arg8[%dma_wait3A_220] : memref<8x!tpu.dma_semaphore, #tpu.memory_space<semaphore_mem>> -> memref<1x!tpu.dma_semaphore, #tpu.memory_space<semaphore_mem>>
    %dma_wait3A_230 = tpu.memref_squeeze %dma_wait3A_229 : memref<1x!tpu.dma_semaphore, #tpu.memory_space<semaphore_mem>> -> memref<!tpu.dma_semaphore, #tpu.memory_space<semaphore_mem>>
    tpu.wait_indirect_dma semaphore(%dma_wait3A_230 : memref<!tpu.dma_semaphore, #tpu.memory_space<semaphore_mem>>) src(%dma_wait3A_228 : memref<1000x128xf32, #tpu.memory_space<vmem_shared>>) dst(%dma_wait3A_223 : memref<64x128xf32, #tpu.memory_space<vmem>>)
    %add3A_231 = arith.constant 320 : i32
    %add3A_232 = arith.addi %mul3A_2, %add3A_231 : i32
    %dma_start3A_233 = arith.constant 320 : i32
    %dma_start3A_234 = arith.constant 0 : i32
    %dma_start3A_235 = tpu.memref_slice %arg6[%dma_start3A_233, %dma_start3A_234] : memref<512x128xf32, #tpu.memory_space<vmem>> -> memref<64x128xf32, #tpu.memory_space<vmem>>
    %dma_start3A_236 = arith.constant 0 : i32
    %dma_start3A_237 = tpu.memref_slice %arg4[%add3A_232, %dma_start3A_236] : memref<16384x128xf32, #tpu.memory_space<hbm>> -> memref<64x128xf32, #tpu.memory_space<hbm>>
    %dma_start3A_238 = arith.constant 0 : i32
    %dma_start3A_239 = tpu.memref_slice %arg4[%add3A_232, %dma_start3A_238] : memref<16384x128xf32, #tpu.memory_space<hbm>> -> memref<64x128xf32, #tpu.memory_space<hbm>>
    %dma_start3A_240 = arith.constant 320 : i32
    %dma_start3A_241 = arith.constant 0 : i32
    %dma_start3A_242 = tpu.memref_slice %arg6[%dma_start3A_240, %dma_start3A_241] : memref<512x128xf32, #tpu.memory_space<vmem>> -> memref<64x128xf32, #tpu.memory_space<vmem>>
    tpu.enqueue_dma source(%dma_start3A_242 : memref<64x128xf32, #tpu.memory_space<vmem>>) target(%dma_start3A_239 : memref<64x128xf32, #tpu.memory_space<hbm>>) target_semaphore(%arg9 : memref<!tpu.dma_semaphore, #tpu.memory_space<semaphore_mem>>)
    %dma_wait3A_243 = arith.constant 6 : i32
    %dma_wait3A_244 = arith.constant 384 : i32
    %dma_wait3A_245 = arith.constant 0 : i32
    %dma_wait3A_246 = tpu.memref_slice %arg6[%dma_wait3A_244, %dma_wait3A_245] : memref<512x128xf32, #tpu.memory_space<vmem>> -> memref<64x128xf32, #tpu.memory_space<vmem>>
    %dma_wait3A_247 = arith.constant 384 : i32
    %dma_wait3A_248 = tpu.memref_slice %arg5[%dma_wait3A_247] : memref<512xi32, #tpu.memory_space<vmem>> -> memref<64xi32, #tpu.memory_space<vmem>>
    %dma_wait3A_249 = arith.constant 0 : i32
    %dma_wait3A_250 = arith.constant 0 : i32
    %dma_wait3A_251 = tpu.memref_slice %arg7[%dma_wait3A_249, %dma_wait3A_250] : memref<1000x128xf32, #tpu.memory_space<vmem_shared>> -> memref<1000x128xf32, #tpu.memory_space<vmem_shared>>
    %dma_wait3A_252 = tpu.memref_slice %arg8[%dma_wait3A_243] : memref<8x!tpu.dma_semaphore, #tpu.memory_space<semaphore_mem>> -> memref<1x!tpu.dma_semaphore, #tpu.memory_space<semaphore_mem>>
    %dma_wait3A_253 = tpu.memref_squeeze %dma_wait3A_252 : memref<1x!tpu.dma_semaphore, #tpu.memory_space<semaphore_mem>> -> memref<!tpu.dma_semaphore, #tpu.memory_space<semaphore_mem>>
    tpu.wait_indirect_dma semaphore(%dma_wait3A_253 : memref<!tpu.dma_semaphore, #tpu.memory_space<semaphore_mem>>) src(%dma_wait3A_251 : memref<1000x128xf32, #tpu.memory_space<vmem_shared>>) dst(%dma_wait3A_246 : memref<64x128xf32, #tpu.memory_space<vmem>>)
    %add3A_254 = arith.constant 384 : i32
    %add3A_255 = arith.addi %mul3A_2, %add3A_254 : i32
    %dma_start3A_256 = arith.constant 384 : i32
    %dma_start3A_257 = arith.constant 0 : i32
    %dma_start3A_258 = tpu.memref_slice %arg6[%dma_start3A_256, %dma_start3A_257] : memref<512x128xf32, #tpu.memory_space<vmem>> -> memref<64x128xf32, #tpu.memory_space<vmem>>
    %dma_start3A_259 = arith.constant 0 : i32
    %dma_start3A_260 = tpu.memref_slice %arg4[%add3A_255, %dma_start3A_259] : memref<16384x128xf32, #tpu.memory_space<hbm>> -> memref<64x128xf32, #tpu.memory_space<hbm>>
    %dma_start3A_261 = arith.constant 0 : i32
    %dma_start3A_262 = tpu.memref_slice %arg4[%add3A_255, %dma_start3A_261] : memref<16384x128xf32, #tpu.memory_space<hbm>> -> memref<64x128xf32, #tpu.memory_space<hbm>>
    %dma_start3A_263 = arith.constant 384 : i32
    %dma_start3A_264 = arith.constant 0 : i32
    %dma_start3A_265 = tpu.memref_slice %arg6[%dma_start3A_263, %dma_start3A_264] : memref<512x128xf32, #tpu.memory_space<vmem>> -> memref<64x128xf32, #tpu.memory_space<vmem>>
    tpu.enqueue_dma source(%dma_start3A_265 : memref<64x128xf32, #tpu.memory_space<vmem>>) target(%dma_start3A_262 : memref<64x128xf32, #tpu.memory_space<hbm>>) target_semaphore(%arg9 : memref<!tpu.dma_semaphore, #tpu.memory_space<semaphore_mem>>)
    %dma_wait3A_266 = arith.constant 7 : i32
    %dma_wait3A_267 = arith.constant 448 : i32
    %dma_wait3A_268 = arith.constant 0 : i32
    %dma_wait3A_269 = tpu.memref_slice %arg6[%dma_wait3A_267, %dma_wait3A_268] : memref<512x128xf32, #tpu.memory_space<vmem>> -> memref<64x128xf32, #tpu.memory_space<vmem>>
    %dma_wait3A_270 = arith.constant 448 : i32
    %dma_wait3A_271 = tpu.memref_slice %arg5[%dma_wait3A_270] : memref<512xi32, #tpu.memory_space<vmem>> -> memref<64xi32, #tpu.memory_space<vmem>>
    %dma_wait3A_272 = arith.constant 0 : i32
    %dma_wait3A_273 = arith.constant 0 : i32
    %dma_wait3A_274 = tpu.memref_slice %arg7[%dma_wait3A_272, %dma_wait3A_273] : memref<1000x128xf32, #tpu.memory_space<vmem_shared>> -> memref<1000x128xf32, #tpu.memory_space<vmem_shared>>
    %dma_wait3A_275 = tpu.memref_slice %arg8[%dma_wait3A_266] : memref<8x!tpu.dma_semaphore, #tpu.memory_space<semaphore_mem>> -> memref<1x!tpu.dma_semaphore, #tpu.memory_space<semaphore_mem>>
    %dma_wait3A_276 = tpu.memref_squeeze %dma_wait3A_275 : memref<1x!tpu.dma_semaphore, #tpu.memory_space<semaphore_mem>> -> memref<!tpu.dma_semaphore, #tpu.memory_space<semaphore_mem>>
    tpu.wait_indirect_dma semaphore(%dma_wait3A_276 : memref<!tpu.dma_semaphore, #tpu.memory_space<semaphore_mem>>) src(%dma_wait3A_274 : memref<1000x128xf32, #tpu.memory_space<vmem_shared>>) dst(%dma_wait3A_269 : memref<64x128xf32, #tpu.memory_space<vmem>>)
    %add3A_277 = arith.constant 448 : i32
    %add3A_278 = arith.addi %mul3A_2, %add3A_277 : i32
    %dma_start3A_279 = arith.constant 448 : i32
    %dma_start3A_280 = arith.constant 0 : i32
    %dma_start3A_281 = tpu.memref_slice %arg6[%dma_start3A_279, %dma_start3A_280] : memref<512x128xf32, #tpu.memory_space<vmem>> -> memref<64x128xf32, #tpu.memory_space<vmem>>
    %dma_start3A_282 = arith.constant 0 : i32
    %dma_start3A_283 = tpu.memref_slice %arg4[%add3A_278, %dma_start3A_282] : memref<16384x128xf32, #tpu.memory_space<hbm>> -> memref<64x128xf32, #tpu.memory_space<hbm>>
    %dma_start3A_284 = arith.constant 0 : i32
    %dma_start3A_285 = tpu.memref_slice %arg4[%add3A_278, %dma_start3A_284] : memref<16384x128xf32, #tpu.memory_space<hbm>> -> memref<64x128xf32, #tpu.memory_space<hbm>>
    %dma_start3A_286 = arith.constant 448 : i32
    %dma_start3A_287 = arith.constant 0 : i32
    %dma_start3A_288 = tpu.memref_slice %arg6[%dma_start3A_286, %dma_start3A_287] : memref<512x128xf32, #tpu.memory_space<vmem>> -> memref<64x128xf32, #tpu.memory_space<vmem>>
    tpu.enqueue_dma source(%dma_start3A_288 : memref<64x128xf32, #tpu.memory_space<vmem>>) target(%dma_start3A_285 : memref<64x128xf32, #tpu.memory_space<hbm>>) target_semaphore(%arg9 : memref<!tpu.dma_semaphore, #tpu.memory_space<semaphore_mem>>)
    %dma_wait3A_289 = arith.constant 0 : i32
    %dma_wait3A_290 = arith.constant 0 : i32
    %dma_wait3A_291 = tpu.memref_slice %arg6[%dma_wait3A_289, %dma_wait3A_290] : memref<512x128xf32, #tpu.memory_space<vmem>> -> memref<64x128xf32, #tpu.memory_space<vmem>>
    %dma_wait3A_292 = arith.constant 0 : i32
    %dma_wait3A_293 = tpu.memref_slice %arg4[%add3A_117, %dma_wait3A_292] : memref<16384x128xf32, #tpu.memory_space<hbm>> -> memref<64x128xf32, #tpu.memory_space<hbm>>
    %dma_wait3A_294 = arith.constant 0 : i32
    %dma_wait3A_295 = tpu.memref_slice %arg4[%add3A_117, %dma_wait3A_294] : memref<16384x128xf32, #tpu.memory_space<hbm>> -> memref<64x128xf32, #tpu.memory_space<hbm>>
    %dma_wait3A_296 = arith.constant 0 : i32
    %dma_wait3A_297 = arith.constant 0 : i32
    %dma_wait3A_298 = tpu.memref_slice %arg6[%dma_wait3A_296, %dma_wait3A_297] : memref<512x128xf32, #tpu.memory_space<vmem>> -> memref<64x128xf32, #tpu.memory_space<vmem>>
    tpu.wait_dma2 semaphore(%arg9 : memref<!tpu.dma_semaphore, #tpu.memory_space<semaphore_mem>>) src(%dma_wait3A_298 : memref<64x128xf32, #tpu.memory_space<vmem>>) dst(%dma_wait3A_295 : memref<64x128xf32, #tpu.memory_space<hbm>>)
    %dma_wait3A_299 = arith.constant 64 : i32
    %dma_wait3A_300 = arith.constant 0 : i32
    %dma_wait3A_301 = tpu.memref_slice %arg6[%dma_wait3A_299, %dma_wait3A_300] : memref<512x128xf32, #tpu.memory_space<vmem>> -> memref<64x128xf32, #tpu.memory_space<vmem>>
    %dma_wait3A_302 = arith.constant 0 : i32
    %dma_wait3A_303 = tpu.memref_slice %arg4[%add3A_140, %dma_wait3A_302] : memref<16384x128xf32, #tpu.memory_space<hbm>> -> memref<64x128xf32, #tpu.memory_space<hbm>>
    %dma_wait3A_304 = arith.constant 0 : i32
    %dma_wait3A_305 = tpu.memref_slice %arg4[%add3A_140, %dma_wait3A_304] : memref<16384x128xf32, #tpu.memory_space<hbm>> -> memref<64x128xf32, #tpu.memory_space<hbm>>
    %dma_wait3A_306 = arith.constant 64 : i32
    %dma_wait3A_307 = arith.constant 0 : i32
    %dma_wait3A_308 = tpu.memref_slice %arg6[%dma_wait3A_306, %dma_wait3A_307] : memref<512x128xf32, #tpu.memory_space<vmem>> -> memref<64x128xf32, #tpu.memory_space<vmem>>
    tpu.wait_dma2 semaphore(%arg9 : memref<!tpu.dma_semaphore, #tpu.memory_space<semaphore_mem>>) src(%dma_wait3A_308 : memref<64x128xf32, #tpu.memory_space<vmem>>) dst(%dma_wait3A_305 : memref<64x128xf32, #tpu.memory_space<hbm>>)
    %dma_wait3A_309 = arith.constant 128 : i32
    %dma_wait3A_310 = arith.constant 0 : i32
    %dma_wait3A_311 = tpu.memref_slice %arg6[%dma_wait3A_309, %dma_wait3A_310] : memref<512x128xf32, #tpu.memory_space<vmem>> -> memref<64x128xf32, #tpu.memory_space<vmem>>
    %dma_wait3A_312 = arith.constant 0 : i32
    %dma_wait3A_313 = tpu.memref_slice %arg4[%add3A_163, %dma_wait3A_312] : memref<16384x128xf32, #tpu.memory_space<hbm>> -> memref<64x128xf32, #tpu.memory_space<hbm>>
    %dma_wait3A_314 = arith.constant 0 : i32
    %dma_wait3A_315 = tpu.memref_slice %arg4[%add3A_163, %dma_wait3A_314] : memref<16384x128xf32, #tpu.memory_space<hbm>> -> memref<64x128xf32, #tpu.memory_space<hbm>>
    %dma_wait3A_316 = arith.constant 128 : i32
    %dma_wait3A_317 = arith.constant 0 : i32
    %dma_wait3A_318 = tpu.memref_slice %arg6[%dma_wait3A_316, %dma_wait3A_317] : memref<512x128xf32, #tpu.memory_space<vmem>> -> memref<64x128xf32, #tpu.memory_space<vmem>>
    tpu.wait_dma2 semaphore(%arg9 : memref<!tpu.dma_semaphore, #tpu.memory_space<semaphore_mem>>) src(%dma_wait3A_318 : memref<64x128xf32, #tpu.memory_space<vmem>>) dst(%dma_wait3A_315 : memref<64x128xf32, #tpu.memory_space<hbm>>)
    %dma_wait3A_319 = arith.constant 192 : i32
    %dma_wait3A_320 = arith.constant 0 : i32
    %dma_wait3A_321 = tpu.memref_slice %arg6[%dma_wait3A_319, %dma_wait3A_320] : memref<512x128xf32, #tpu.memory_space<vmem>> -> memref<64x128xf32, #tpu.memory_space<vmem>>
    %dma_wait3A_322 = arith.constant 0 : i32
    %dma_wait3A_323 = tpu.memref_slice %arg4[%add3A_186, %dma_wait3A_322] : memref<16384x128xf32, #tpu.memory_space<hbm>> -> memref<64x128xf32, #tpu.memory_space<hbm>>
    %dma_wait3A_324 = arith.constant 0 : i32
    %dma_wait3A_325 = tpu.memref_slice %arg4[%add3A_186, %dma_wait3A_324] : memref<16384x128xf32, #tpu.memory_space<hbm>> -> memref<64x128xf32, #tpu.memory_space<hbm>>
    %dma_wait3A_326 = arith.constant 192 : i32
    %dma_wait3A_327 = arith.constant 0 : i32
    %dma_wait3A_328 = tpu.memref_slice %arg6[%dma_wait3A_326, %dma_wait3A_327] : memref<512x128xf32, #tpu.memory_space<vmem>> -> memref<64x128xf32, #tpu.memory_space<vmem>>
    tpu.wait_dma2 semaphore(%arg9 : memref<!tpu.dma_semaphore, #tpu.memory_space<semaphore_mem>>) src(%dma_wait3A_328 : memref<64x128xf32, #tpu.memory_space<vmem>>) dst(%dma_wait3A_325 : memref<64x128xf32, #tpu.memory_space<hbm>>)
    %dma_wait3A_329 = arith.constant 256 : i32
    %dma_wait3A_330 = arith.constant 0 : i32
    %dma_wait3A_331 = tpu.memref_slice %arg6[%dma_wait3A_329, %dma_wait3A_330] : memref<512x128xf32, #tpu.memory_space<vmem>> -> memref<64x128xf32, #tpu.memory_space<vmem>>
    %dma_wait3A_332 = arith.constant 0 : i32
    %dma_wait3A_333 = tpu.memref_slice %arg4[%add3A_209, %dma_wait3A_332] : memref<16384x128xf32, #tpu.memory_space<hbm>> -> memref<64x128xf32, #tpu.memory_space<hbm>>
    %dma_wait3A_334 = arith.constant 0 : i32
    %dma_wait3A_335 = tpu.memref_slice %arg4[%add3A_209, %dma_wait3A_334] : memref<16384x128xf32, #tpu.memory_space<hbm>> -> memref<64x128xf32, #tpu.memory_space<hbm>>
    %dma_wait3A_336 = arith.constant 256 : i32
    %dma_wait3A_337 = arith.constant 0 : i32
    %dma_wait3A_338 = tpu.memref_slice %arg6[%dma_wait3A_336, %dma_wait3A_337] : memref<512x128xf32, #tpu.memory_space<vmem>> -> memref<64x128xf32, #tpu.memory_space<vmem>>
    tpu.wait_dma2 semaphore(%arg9 : memref<!tpu.dma_semaphore, #tpu.memory_space<semaphore_mem>>) src(%dma_wait3A_338 : memref<64x128xf32, #tpu.memory_space<vmem>>) dst(%dma_wait3A_335 : memref<64x128xf32, #tpu.memory_space<hbm>>)
    %dma_wait3A_339 = arith.constant 320 : i32
    %dma_wait3A_340 = arith.constant 0 : i32
    %dma_wait3A_341 = tpu.memref_slice %arg6[%dma_wait3A_339, %dma_wait3A_340] : memref<512x128xf32, #tpu.memory_space<vmem>> -> memref<64x128xf32, #tpu.memory_space<vmem>>
    %dma_wait3A_342 = arith.constant 0 : i32
    %dma_wait3A_343 = tpu.memref_slice %arg4[%add3A_232, %dma_wait3A_342] : memref<16384x128xf32, #tpu.memory_space<hbm>> -> memref<64x128xf32, #tpu.memory_space<hbm>>
    %dma_wait3A_344 = arith.constant 0 : i32
    %dma_wait3A_345 = tpu.memref_slice %arg4[%add3A_232, %dma_wait3A_344] : memref<16384x128xf32, #tpu.memory_space<hbm>> -> memref<64x128xf32, #tpu.memory_space<hbm>>
    %dma_wait3A_346 = arith.constant 320 : i32
    %dma_wait3A_347 = arith.constant 0 : i32
    %dma_wait3A_348 = tpu.memref_slice %arg6[%dma_wait3A_346, %dma_wait3A_347] : memref<512x128xf32, #tpu.memory_space<vmem>> -> memref<64x128xf32, #tpu.memory_space<vmem>>
    tpu.wait_dma2 semaphore(%arg9 : memref<!tpu.dma_semaphore, #tpu.memory_space<semaphore_mem>>) src(%dma_wait3A_348 : memref<64x128xf32, #tpu.memory_space<vmem>>) dst(%dma_wait3A_345 : memref<64x128xf32, #tpu.memory_space<hbm>>)
    %dma_wait3A_349 = arith.constant 384 : i32
    %dma_wait3A_350 = arith.constant 0 : i32
    %dma_wait3A_351 = tpu.memref_slice %arg6[%dma_wait3A_349, %dma_wait3A_350] : memref<512x128xf32, #tpu.memory_space<vmem>> -> memref<64x128xf32, #tpu.memory_space<vmem>>
    %dma_wait3A_352 = arith.constant 0 : i32
    %dma_wait3A_353 = tpu.memref_slice %arg4[%add3A_255, %dma_wait3A_352] : memref<16384x128xf32, #tpu.memory_space<hbm>> -> memref<64x128xf32, #tpu.memory_space<hbm>>
    %dma_wait3A_354 = arith.constant 0 : i32
    %dma_wait3A_355 = tpu.memref_slice %arg4[%add3A_255, %dma_wait3A_354] : memref<16384x128xf32, #tpu.memory_space<hbm>> -> memref<64x128xf32, #tpu.memory_space<hbm>>
    %dma_wait3A_356 = arith.constant 384 : i32
    %dma_wait3A_357 = arith.constant 0 : i32
    %dma_wait3A_358 = tpu.memref_slice %arg6[%dma_wait3A_356, %dma_wait3A_357] : memref<512x128xf32, #tpu.memory_space<vmem>> -> memref<64x128xf32, #tpu.memory_space<vmem>>
    tpu.wait_dma2 semaphore(%arg9 : memref<!tpu.dma_semaphore, #tpu.memory_space<semaphore_mem>>) src(%dma_wait3A_358 : memref<64x128xf32, #tpu.memory_space<vmem>>) dst(%dma_wait3A_355 : memref<64x128xf32, #tpu.memory_space<hbm>>)
    %dma_wait3A_359 = arith.constant 448 : i32
    %dma_wait3A_360 = arith.constant 0 : i32
    %dma_wait3A_361 = tpu.memref_slice %arg6[%dma_wait3A_359, %dma_wait3A_360] : memref<512x128xf32, #tpu.memory_space<vmem>> -> memref<64x128xf32, #tpu.memory_space<vmem>>
    %dma_wait3A_362 = arith.constant 0 : i32
    %dma_wait3A_363 = tpu.memref_slice %arg4[%add3A_278, %dma_wait3A_362] : memref<16384x128xf32, #tpu.memory_space<hbm>> -> memref<64x128xf32, #tpu.memory_space<hbm>>
    %dma_wait3A_364 = arith.constant 0 : i32
    %dma_wait3A_365 = tpu.memref_slice %arg4[%add3A_278, %dma_wait3A_364] : memref<16384x128xf32, #tpu.memory_space<hbm>> -> memref<64x128xf32, #tpu.memory_space<hbm>>
    %dma_wait3A_366 = arith.constant 448 : i32
    %dma_wait3A_367 = arith.constant 0 : i32
    %dma_wait3A_368 = tpu.memref_slice %arg6[%dma_wait3A_366, %dma_wait3A_367] : memref<512x128xf32, #tpu.memory_space<vmem>> -> memref<64x128xf32, #tpu.memory_space<vmem>>
    tpu.wait_dma2 semaphore(%arg9 : memref<!tpu.dma_semaphore, #tpu.memory_space<semaphore_mem>>) src(%dma_wait3A_368 : memref<64x128xf32, #tpu.memory_space<vmem>>) dst(%dma_wait3A_365 : memref<64x128xf32, #tpu.memory_space<hbm>>)
    return
  }
}

</mosaic_0001>

<sc_bundles>
// kernel: kernel.3.cloned.1.call-start
scs
__scs_entry_jumppad:
0x0: {  	(pc) =	sbr.rel $0x88, $3  }
0x1: {  	(tag) =	ssettag $0x0;
	lr =	simm.s32 $0x1  }
0x2: {  	[smem:$0x3F9F] =	sst lr;
	_ =	strace $0xD0000000  }
0x3: {  	_ = 	snop  }
0x4: {  	_ = 	snop  }
0x5: {  	_ = 	snop  }
0x6: {  	_ = 	snop  }
0x7: {  	_ = 	snop  }
__scs_overlays_trampoline_lowered:
0x8: {  	[smem:$0x3FAE] =	sst s0  }
0x9: {  	[smem:$0x3FAF] =	sst s1  }
0xa: {  	[smem:$0x3FB0] =	sst s2  }
0xb: {  	[smem:$0x3FB1] =	sst s3  }
0xc: {  	[smem:$0x3FB2] =	sst s4  }
0xd: {  	[smem:$0x3FB3] =	sst s5  }
0xe: {  	[smem:$0x3FB4] =	sst s6  }
0xf: {  	[smem:$0x3FB5] =	sst s7  }
0x10: {  	[smem:$0x3FB6] =	sst s8  }
0x11: {  	[smem:$0x3FB7] =	sst s9;
	s0 =	simm.s32 @!p0 $0x0  }
0x12: {  	s1 =	sld [smem:$0x3F9D];
	s0 =	simm.s32 @p0 $0x1  }
0x13: {  	[smem:$0x3FB8] =	sst s0;
	s0 =	simm.s32 @!p1 $0x0  }
0x14: {  	s2 =	sld [smem:$0x3F9C];
	s0 =	simm.s32 @p1 $0x1  }
0x15: {  	[smem:$0x3FB9] =	sst s0;
	s0 =	simm.s32 @!p2 $0x0  }
0x16: {  	s3 =	sld [smem:$0x3FDB];
	s0 =	simm.s32 @p2 $0x1  }
0x17: {  	s4 =	simm.s32 $0x1BF5;
	[smem:$0x3FBB] =	sst s0  }
0x18: {  	s0 =	sld [smem:$0x3F9E];
	_ =	swait.ge [sflag:s4], $0x0  }
0x19: {  	s7 =	sld [smem:$0x3F9F]  }
0x1a: {  	s8 =	sadd.s32 $0xFFFFE003, lr  }
0x1b: {  	s9 =	sadd.s32 $0xFFFFFEF7, lr;
	s5 =	simm.s32 $0xFFFFFFFF;
	p2 =	slt.u32 s8, $0xFFFFF086  }
0x1c: {  	p1 =	slt.u32 s9, $0xF7A;
	s5 =	simm.s32 @!p2 $0x0  }
0x1d: {  	s5 =	simm.s32 @p1 $0x1;
	p0 =	seq.s32 s7, s2  }
0x1e: {  	s7 =	smul.u32 @!p0 $0xF7A, s2;
	p2 =	seq.s32 @!p0 s5, $0x0  }
0x1f: {  	s9 =	smul.u32 $0xF7A, s1;
	s8 =	simm.s32 @!p0 $0x1BF5;
	p2 =	por !p2, p0  }
0x20: {  	[sflag:s8] =	ssyncset.s32 @!p0 $0xFFFFF086;
	s6 =	sadd.s32 @!p0 s3, s7;
	s7 =	simm.s32 @!p0 $0x108  }
0x21: {  	s3 =	sadd.s32 s3, s9;
	s6 =	sadd.s32 @!p0 $0x88, s6;
	s7 =	simm.s32 @p2 $0x1082  }
0x22: {  	[simem:s7], [sflag:s8] =	dma.local @!p0 [hbm:s6], $0xF7A  }
0x23: {  	s9 =	sor.u32 $0xD0000000, s2;
	s6 =	simm.s32 $0x108;
	_ =	swait.ge @!p0 [sflag:s8], $0x0  }
0x24: {  	s3 =	sadd.s32 $0x88, s3;
	s6 =	simm.s32 @!p1 $0x1082;
	[sflag:s4] =	ssyncset.s32 $0xFFFFF086  }
0x25: {  	[simem:s6], [sflag:s4] =	dma.local [hbm:s3], $0xF7A  }
0x26: {  	[smem:$0x3F9F] =	sst s1;
	(tag) =	ssettag s2;
	_ =	strace s9  }
0x27: {  	s1 =	sld [smem:$0x3FAF]  }
0x28: {  	s2 =	sld [smem:$0x3FB0]  }
0x29: {  	s4 =	sld [smem:$0x3FB2]  }
0x2a: {  	p0 =	seq.s32 s5, $0x0;
	s5 =	sld [smem:$0x3FB3]  }
0x2b: {  	s6 =	sld [smem:$0x3FB4]  }
0x2c: {  	s7 =	sld [smem:$0x3FB5]  }
0x2d: {  	s3 =	simm.s32 $0x108;
	s8 =	sld [smem:$0x3FB6]  }
0x2e: {  	s3 =	simm.s32 @!p0 $0x1082;
	s9 =	sld [smem:$0x3FB7]  }
0x2f: {  	lr =	sadd.s32 s0, s3;
	s0 =	sld [smem:$0x3FAE]  }
0x30: {  	s3 =	sld [smem:$0x3FB1]  }
0x31: {  	[smem:$0x3FBA] =	sst s10  }
0x32: {  	s10 =	sld [smem:$0x3FB8];
	_ =	sdelay $0x3  }
0x33: {  	p0 =	seq.s32 s10, $0x1;
	s10 =	sld [smem:$0x3FBA];
	_ =	sdelay $0x3  }
0x34: {  	[smem:$0x3FBA] =	sst s10  }
0x35: {  	s10 =	sld [smem:$0x3FB9];
	_ =	sdelay $0x3  }
0x36: {  	p1 =	seq.s32 s10, $0x1;
	s10 =	sld [smem:$0x3FBA];
	_ =	sdelay $0x3  }
0x37: {  	[smem:$0x3FBA] =	sst s10  }
0x38: {  	s10 =	sld [smem:$0x3FBB]  }
0x39: {  	_ = 	snop;
	(pc) =	sbr.ind lr, $3  }
0x3a: {  	_ = 	snop  }
0x3b: {  	_ = 	snop  }
0x3c: {  	p2 =	seq.s32 s10, $0x1;
	s10 =	sld [smem:$0x3FBA]  }
0x3d: {  	_ =	shalt  }
0x3e: {  	_ =	shalt  }
0x3f: {  	_ =	shalt  }
0x40: {  	_ =	shalt  }
0x41: {  	_ =	shalt  }
0x42: {  	_ =	shalt  }
0x43: {  	_ =	shalt  }
0x44: {  	_ =	shalt  }
0x45: {  	_ =	shalt  }
0x46: {  	_ =	shalt  }
0x47: {  	_ =	shalt  }
0x48: {  	_ =	shalt  }
0x49: {  	_ =	shalt  }
0x4a: {  	_ =	shalt  }
0x4b: {  	_ =	shalt  }
0x4c: {  	_ =	shalt  }
0x4d: {  	_ =	shalt  }
0x4e: {  	_ =	shalt  }
0x4f: {  	_ =	shalt  }
0x50: {  	_ =	shalt  }
0x51: {  	_ =	shalt  }
0x52: {  	_ =	shalt  }
0x53: {  	_ =	shalt  }
0x54: {  	_ =	shalt  }
0x55: {  	_ =	shalt  }
0x56: {  	_ =	shalt  }
0x57: {  	_ =	shalt  }
0x58: {  	_ =	shalt  }
0x59: {  	_ =	shalt  }
0x5a: {  	_ =	shalt  }
0x5b: {  	_ =	shalt  }
0x5c: {  	_ =	shalt  }
0x5d: {  	_ =	shalt  }
0x5e: {  	_ =	shalt  }
0x5f: {  	_ =	shalt  }
0x60: {  	_ =	shalt  }
0x61: {  	_ =	shalt  }
0x62: {  	_ =	shalt  }
0x63: {  	_ =	shalt  }
0x64: {  	_ =	shalt  }
0x65: {  	_ =	shalt  }
0x66: {  	_ =	shalt  }
0x67: {  	_ =	shalt  }
0x68: {  	_ =	shalt  }
0x69: {  	_ =	shalt  }
0x6a: {  	_ =	shalt  }
0x6b: {  	_ =	shalt  }
0x6c: {  	_ =	shalt  }
0x6d: {  	_ =	shalt  }
0x6e: {  	_ =	shalt  }
0x6f: {  	_ =	shalt  }
0x70: {  	_ =	shalt  }
0x71: {  	_ =	shalt  }
0x72: {  	_ =	shalt  }
0x73: {  	_ =	shalt  }
0x74: {  	_ =	shalt  }
0x75: {  	_ =	shalt  }
0x76: {  	_ =	shalt  }
0x77: {  	_ =	shalt  }
0x78: {  	_ =	shalt  }
0x79: {  	_ =	shalt  }
0x7a: {  	_ =	shalt  }
0x7b: {  	_ =	shalt  }
0x7c: {  	_ =	shalt  }
0x7d: {  	_ =	shalt  }
0x7e: {  	_ =	shalt  }
0x7f: {  	_ =	shalt  }
0x80: {  	_ =	shalt  }
0x81: {  	_ =	shalt  }
0x82: {  	_ =	shalt  }
0x83: {  	_ =	shalt  }
0x84: {  	_ =	shalt  }
0x85: {  	_ =	shalt  }
0x86: {  	_ =	shalt  }
0x87: {  	_ =	shalt  }
.Lfunc_end0:
.L_simem_size_0:
called_computation_lowered:
.L_overlay_start_0:
0x88: {  	s2 =	sld [smem:$0x3FD9]  }
0x89: {  	s3 =	sld [smem:$0x3FFE];
	_ =	sdelay $0x1  }
0x8a: {  	s1 =	srdreg.scid  }
0x8b: {  	s0 =	sand.u32 $0x1, s1  }
0x8c: {  	s18 =	sshll.u32 s0, $0xA;
	s2 =	sadd.s32 s3, s2  }
0x8d: {  	s2 =	sadd.s32 s2, s18  }
0x8e: {  	[smem:$0x3FC6] =	sst s2  }
0x8f: {  	_ = 	snop  }
0x90: {  	s2 =	sld [smem:$0x3FC9]  }
0x91: {  	s19 =	sld [smem:$0x3FC8]  }
0x92: {  	s4 =	sld [smem:$0x3FD0];
	(tm) =	ssettm $0x1  }
0x93: {  	s5 =	sld [smem:$0x3FFB];
	_ =	sdelay $0x3  }
0x94: {  	_ =	strace s5  }
0x95: {  	s5 =	sld [smem:$0x3FFC];
	_ =	sdelay $0x3  }
0x96: {  	_ =	strace s5  }
0x97: {  	s5 =	sld [smem:$0x3FFD];
	_ =	sdelay $0x3  }
0x98: {  	_ =	strace s5  }
0x99: {  	_ =	strace $0x8FFFFFFF  }
0x9a: {  	s20 =	sld [smem:$0x3FDB];
	_ =	sdelay $0x1  }
0x9b: {  	s6 =	simm.s32 $_scs_section_size  }
0x9c: {  	s7 =	simm.s32 $_size__tile_overlayer_lowered;
	s8 =	simm.s32 $_tile_overlayer_lowered  }
0x9d: {  	s23 =	simm.s32 $0x1BFF;
	s22 =	sshll.u32 s8, $0x1;
	s5 =	sadd.s32 s6, s20  }
0x9e: {  	s9 =	simm.s32 $0x0;
	s21 =	sshll.u32 s7, $0x1;
	s7 =	sadd.s32 s22, s5  }
0x9f: {  	[timem:s9], [sflag:s23] =	dma.local [hbm:s7], s21  }
0xa0: {  	_ =	swait.ge [sflag:s23], s21  }
0xa1: {  	s6 =	ssub.s32 $0x0, s21;
	[sflag:s23] =	ssyncset.done $0x0  }
0xa2: {  	[sflag:s23] =	ssyncadd.s32 s6;
	_ =	sdelay $0x1  }
0xa3: {  	s24 =	simm.s32 $0x1B8B  }
0xa4: {  	_ =	swait.ge [sflag:s24], $0x1  }
0xa5: {  	[sflag:s24] =	ssyncset.done $0x0  }
0xa6: {  	s25 =	simm.s32 $0x1B8E;
	[sflag:s24] =	ssyncadd.s32 $0xFFFFFFFF  }
0xa7: {  	s26 =	simm.s32 $execute0_lowered;
	[smem:$0x3FD2] =	sst s25  }
0xa8: {  	s6 =	sshll.u32 s26, $0x1;
	_ =	strace $0x80000046;
	[dreg:$0x1] =	wrdreg $0xFFFFFFFF  }
0xa9: {  	s28 =	simm.s32 $_size_execute0_lowered;
	s5 =	sadd.s32 s5, s6;
	[dreg:$0x0] =	wrdreg $0x0  }
0xaa: {  	s6 =	sshll.u32 s28, $0x1;
	[dreg:$0x2] =	wrdreg s5  }
0xab: {  	[dreg:$0x3] =	wrdreg s6  }
0xac: {  	[dreg:$0x4] =	wrdreg $0xC0  }
0xad: {  	_ =	task [dreg:s9], $0x5FFFF  }
0xae: {  	[dreg:$0x1] =	wrdreg $0xFFFFFFFF  }
0xaf: {  	[dreg:$0x0] =	wrdreg $0x60  }
0xb0: {  	[dreg:$0x2] =	wrdreg s19  }
0xb1: {  	[dreg:$0x3] =	wrdreg s2  }
0xb2: {  	[dreg:$0x4] =	wrdreg s4  }
0xb3: {  	[dreg:$0x5] =	wrdreg $0x102000  }
0xb4: {  	[dreg:$0x6] =	wrdreg $0x9  }
0xb5: {  	_ =	task.clear_ibuf [dreg:s9], $0x7FFFF;
	_ =	strace $0x90000046  }
0xb6: {  	s29 =	simm.s32 $0x9;
	_ =	strace $0x80000048  }
0xb7: {  	_ =	swait.ge [sflag:s29], $0x1  }
0xb8: {  	[sflag:s29] =	ssyncadd.s32 $0xFFFFFFFF  }
0xb9: {  	_ =	strace $0x90000048  }
0xba: {  	_ =	sfence  }
0xbb: {  	s30 =	sld [smem:$0x0];
	_ =	sdelay $0x2  }
0xbc: {  	s31 =	sshll.u32 s1, $0xD;
	s1 =	sshrl.u32 s1, $0x2  }
0xbd: {  	s3 =	sand.u32 $0x4000, s31;
	s1 =	sadd.s32 s1, s30  }
0xbe: {  	s0 =	sor.u32 s3, s0;
	s1 =	sshll.u32 s1, $0x11  }
0xbf: {  	s0 =	sor.u32 s1, s0  }
0xc0: {  	s0 =	sadd.s32 $0x8F2B, s0  }
0xc1: {  	[sflag:s0] =	ssyncadd.remote.s32 $0x1  }
0xc2: {  	_ =	sfence.sel $0xFFFF  }
0xc3: {  	[dreg:$0x0] =	wrdreg $0xFFFFFFFF;
	(pc) =	sbr.abs _section_cstart, $3  }
0xc4: {  	[dreg:$0x1] =	wrdreg $0xFFFFFFFF  }
0xc5: {  	_ =	task.clear_ibuf [dreg:s9], $0x2FFFF;
	_ =	strace $0x9FFFFFFF  }
0xc6: {  	(tm) =	ssettm $0x7FFFFFFF  }
0xc7: {  	_ =	shalt  }
tec
execute0_lowered:
.L_overlay_start_1:
0x0: {  	(tag) =	ssettag $0x1  }
0x1: {  	s1 =	rddreg [dreg:$0x0]  }
0x2: {  	s5 =	rddreg [dreg:$0x1];
	s2 =	srdreg.scid  }
0x3: {  	s6 =	rddreg [dreg:$0x2];
	s0 =	stileid.u32  }
0x4: {  	s3 =	rddreg [dreg:$0x3];
	s4 =	simm.s32 $0x0;
	s11 =	simm.s32 $0x80  }
0x5: {  	s2 =	sand.u32 $0x1, s2;
	s7 =	sshll.u32 s0, $0xA;
	[smem:$0x7FF] =	sst s4  }
0x6: {  	p0 =	seq.s32 s0, $0xF;
	s14 =	sshll.u32 s0, $0x6;
	s8 =	sshll.u32 s2, $0x9  }
0x7: {  	_ =	strace $0x80000047;
	s13 =	sadd.s32 s1, s7;
	[dreg:$0x11] =	wrdreg s11  }
0x8: {  	s8 =	sor.u32 s8, s7;
	[dreg:$0x6] =	wrdreg s13;
	s7 =	simm.s32 $0xFFFFFD80  }
0x9: {  	s9 =	sshrl.u32 s8, $0x3;
	s7 =	simm.s32 @!p0 $0xFFFFFC00;
	s24 =	rddreg [dreg:$0x6]  }
0xa: {  	s19 =	sshll.u32 s0, $0xD;
	s5 =	sadd.s32 s5, s9;
	[dreg:$0x8] =	wrdreg s7  }
0xb: {  	s7 =	sadd.s32 s19, s3;
	[dreg:$0x5] =	wrdreg s5;
	s5 =	sor.u32 $0x1C09, s14  }
0xc: {  	s22 =	sshrl.u32 s7, $0x3;
	[dreg:$0x7] =	wrdreg s5  }
0xd: {  	[dreg:$0x10] =	wrdreg s22  }
0xe: {  	s8 =	sshll.u32 s8, $0x4;
	s10 =	rddreg [dreg:$0x5]  }
0xf: {  	s5 =	sadd.s32 s6, s8;
	s23 =	rddreg [dreg:$0x7]  }
0x10: {  	s6 =	sadd.s32 $0x400, s5;
	s12 =	rddreg [dreg:$0x10]  }
0x11: {  	[tilespmem:s4], [sflag:$0xA] =	stream.linear.gather [hbm4b:s10+s4], $0x200, $0x38;
	[tilespmem:$0x12140] =	vst v63  }
0x12: {  	s15 =	sadd.s32 $0x800, s5;
	[dreg:$0x9] =	wrdreg s6  }
0x13: {  	s16 =	sadd.s32 $0xC00, s5;
	[dreg:$0xa] =	wrdreg s15  }
0x14: {  	s17 =	sadd.s32 $0x1000, s5;
	[dreg:$0xb] =	wrdreg s16  }
0x15: {  	s18 =	sadd.s32 $0x1400, s5;
	[dreg:$0xc] =	wrdreg s17  }
0x16: {  	s20 =	sadd.s32 $0x1800, s5;
	[dreg:$0xd] =	wrdreg s18  }
0x17: {  	s21 =	sadd.s32 $0x1C00, s5;
	[dreg:$0xe] =	wrdreg s20;
	s6 =	simm.s32 $0x280  }
0x18: {  	s7 =	simm.s32 $0xA;
	[dreg:$0xf] =	wrdreg s21;
	s6 =	simm.s32 @!p0 $0x400  }
0x19: {  	[spmem:s12], [sflag:s23] =	dma.local [hbm:s24], s6  }
0x1a: {  	_ =	swait.ge [sflag:s7], $0x200  }
0x1b: {  	s9 =	simm.s32 $0x9;
	[sflag:s7] =	ssyncset.done $0x0  }
0x1c: {  	s8 =	simm.s32 $0x40;
	s10 =	simm.s32 $0x200;
	[sflag:s7] =	ssyncadd.s32 $0xFFFFFE00  }
0x1d: {  	[tilespmem:s10], [sflag:$0x1] =	stream.indirect.gather [hbm4b:s1+s8], $0x80, s4, s8, $0xb8;
	[tilespmem:$0x12140] =	vst v63  }
0x1e: {  	_ =	swait.ge [sflag:s9], s6  }
0x1f: {  	s25 =	rddreg [dreg:$0x8];
	[sflag:s9] =	ssyncset.done $0x0  }
0x20: {  	[sflag:s9] =	ssyncadd.s32 s25  }
0x21: {  	s11 =	simm.s32 $0x2200;
	[bflag:$0x0] =	sbarrier.arrive $0xFFFF  }
0x22: {  	[tilespmem:s11], [sflag:$0x2] =	stream.indirect.gather [spmem:s3], $0x80, s8, s8, $0xb8;
	[tilespmem:$0x12140] =	vst v63  }
0x23: {  	s12 =	simm.s32 $0x4200;
	s13 =	rddreg [dreg:$0x11]  }
0x24: {  	[tilespmem:s12], [sflag:$0x3] =	stream.indirect.gather [spmem:s3], $0x80, s13, s8, $0xb8;
	[tilespmem:$0x12140] =	vst v63  }
0x25: {  	s26 =	simm.s32 $0xC0;
	s14 =	simm.s32 $0x6200  }
0x26: {  	[tilespmem:s14], [sflag:$0x4] =	stream.indirect.gather [spmem:s3], $0x80, s26, s8, $0xb8;
	[tilespmem:$0x12140] =	vst v63  }
0x27: {  	s16 =	simm.s32 $0x8200;
	s1 =	simm.s32 $0x100  }
0x28: {  	[tilespmem:s16], [sflag:$0x5] =	stream.indirect.gather [spmem:s3], $0x80, s1, s8, $0xb8;
	[tilespmem:$0x12140] =	vst v63  }
0x29: {  	s17 =	simm.s32 $0x140;
	s18 =	simm.s32 $0xA200  }
0x2a: {  	[tilespmem:s18], [sflag:$0x6] =	stream.indirect.gather [spmem:s3], $0x80, s17, s8, $0xb8;
	[tilespmem:$0x12140] =	vst v63  }
0x2b: {  	s19 =	simm.s32 $0x180;
	s20 =	simm.s32 $0xC200  }
0x2c: {  	[tilespmem:s20], [sflag:$0x7] =	stream.indirect.gather [spmem:s3], $0x80, s19, s8, $0xb8;
	[tilespmem:$0x12140] =	vst v63  }
0x2d: {  	s22 =	simm.s32 $0xE200;
	s21 =	simm.s32 $0x1C0;
	s23 =	simm.s32 $0x1  }
0x2e: {  	[tilespmem:s22], [sflag:$0x8] =	stream.indirect.gather [spmem:s3], $0x80, s21, s8, $0xb8;
	[tilespmem:$0x12140] =	vst v63  }
0x2f: {  	_ =	swait.ge [sflag:s23], $0x2000  }
0x30: {  	[sflag:s23] =	ssyncset.done $0x0  }
0x31: {  	s24 =	simm.s32 $0x2;
	[sflag:s23] =	ssyncadd.s32 $0xFFFFE000  }
0x32: {  	[hbm4b:s5+s4] =	stream.linear.scatter [tilespmem:s10], [sflag:$0x9], $0x2000, $0x38;
	[tilespmem:$0x12140] =	vst v63  }
0x33: {  	_ =	swait.ge [sflag:s24], $0x2000  }
0x34: {  	[sflag:s24] =	ssyncset.done $0x0  }
0x35: {  	s25 =	rddreg [dreg:$0x9];
	[sflag:s24] =	ssyncadd.s32 $0xFFFFE000  }
0x36: {  	[hbm4b:s25+s4] =	stream.linear.scatter [tilespmem:s11], [sflag:$0x9], $0x2000, $0x38;
	[tilespmem:$0x12140] =	vst v63  }
0x37: {  	s25 =	simm.s32 $0x3  }
0x38: {  	_ =	swait.ge [sflag:s25], $0x2000  }
0x39: {  	[sflag:s25] =	ssyncset.done $0x0  }
0x3a: {  	s26 =	rddreg [dreg:$0xa];
	[sflag:s25] =	ssyncadd.s32 $0xFFFFE000  }
0x3b: {  	[hbm4b:s26+s4] =	stream.linear.scatter [tilespmem:s12], [sflag:$0x9], $0x2000, $0x38;
	[tilespmem:$0x12140] =	vst v63  }
0x3c: {  	s26 =	simm.s32 $0x4  }
0x3d: {  	_ =	swait.ge [sflag:s26], $0x2000  }
0x3e: {  	[sflag:s26] =	ssyncset.done $0x0  }
0x3f: {  	s28 =	rddreg [dreg:$0xb];
	[sflag:s26] =	ssyncadd.s32 $0xFFFFE000  }
0x40: {  	[hbm4b:s28+s4] =	stream.linear.scatter [tilespmem:s14], [sflag:$0x9], $0x2000, $0x38;
	[tilespmem:$0x12140] =	vst v63  }
0x41: {  	s28 =	simm.s32 $0x5  }
0x42: {  	_ =	swait.ge [sflag:s28], $0x2000  }
0x43: {  	[sflag:s28] =	ssyncset.done $0x0  }
0x44: {  	s29 =	rddreg [dreg:$0xc];
	[sflag:s28] =	ssyncadd.s32 $0xFFFFE000  }
0x45: {  	[hbm4b:s29+s4] =	stream.linear.scatter [tilespmem:s16], [sflag:$0x9], $0x2000, $0x38;
	[tilespmem:$0x12140] =	vst v63  }
0x46: {  	s29 =	simm.s32 $0x6  }
0x47: {  	_ =	swait.ge [sflag:s29], $0x2000  }
0x48: {  	[sflag:s29] =	ssyncset.done $0x0  }
0x49: {  	s30 =	rddreg [dreg:$0xd];
	[sflag:s29] =	ssyncadd.s32 $0xFFFFE000  }
0x4a: {  	[hbm4b:s30+s4] =	stream.linear.scatter [tilespmem:s18], [sflag:$0x9], $0x2000, $0x38;
	[tilespmem:$0x12140] =	vst v63  }
0x4b: {  	s30 =	simm.s32 $0x7  }
0x4c: {  	_ =	swait.ge [sflag:s30], $0x2000  }
0x4d: {  	[sflag:s30] =	ssyncset.done $0x0  }
0x4e: {  	s31 =	rddreg [dreg:$0xe];
	[sflag:s30] =	ssyncadd.s32 $0xFFFFE000  }
0x4f: {  	[hbm4b:s31+s4] =	stream.linear.scatter [tilespmem:s20], [sflag:$0x9], $0x2000, $0x38;
	[tilespmem:$0x12140] =	vst v63  }
0x50: {  	s31 =	simm.s32 $0x8  }
0x51: {  	_ =	swait.ge [sflag:s31], $0x2000  }
0x52: {  	[sflag:s31] =	ssyncset.done $0x0  }
0x53: {  	s13 =	rddreg [dreg:$0xf];
	[sflag:s31] =	ssyncadd.s32 $0xFFFFE000  }
0x54: {  	[hbm4b:s13+s4] =	stream.linear.scatter [tilespmem:s22], [sflag:$0x9], $0x2000, $0x38;
	[tilespmem:$0x12140] =	vst v63  }
0x55: {  	_ =	swait.ge [sflag:s9], $0x2000  }
0x56: {  	[sflag:s9] =	ssyncset.done $0x0  }
0x57: {  	[sflag:s9] =	ssyncadd.s32 $0xFFFFE000  }
0x58: {  	_ =	swait.ge [sflag:s9], $0x2000  }
0x59: {  	[sflag:s9] =	ssyncset.done $0x0  }
0x5a: {  	[sflag:s9] =	ssyncadd.s32 $0xFFFFE000  }
0x5b: {  	_ =	swait.ge [sflag:s9], $0x2000  }
0x5c: {  	[sflag:s9] =	ssyncset.done $0x0  }
0x5d: {  	[sflag:s9] =	ssyncadd.s32 $0xFFFFE000  }
0x5e: {  	_ =	swait.ge [sflag:s9], $0x2000  }
0x5f: {  	[sflag:s9] =	ssyncset.done $0x0  }
0x60: {  	[sflag:s9] =	ssyncadd.s32 $0xFFFFE000  }
0x61: {  	s15 =	ssub.s32 $0x2, s2;
	_ =	swait.ge [sflag:s9], $0x2000  }
0x62: {  	s2 =	sshrl.u32 s15, $0x1;
	[sflag:s9] =	ssyncset.done $0x0  }
0x63: {  	s0 =	ssub.s32 s15, s2;
	[sflag:s9] =	ssyncadd.s32 $0xFFFFE000  }
0x64: {  	s0 =	smax.u32 s0, $0x1;
	_ =	swait.ge [sflag:s9], $0x2000  }
0x65: {  	p0 =	sne.s32 s0, $0x1;
	[sflag:s9] =	ssyncset.done $0x0  }
.Ltmp0:
0x66: {  	[sflag:s9] =	ssyncadd.s32 $0xFFFFE000;
	(pc) =	sbr.rel @!p0 .LBB2_2-.Ltmp0, $4  }
0x67: {  	_ =	swait.ge [sflag:s9], $0x2000  }
0x68: {  	[sflag:s9] =	ssyncset.done $0x0  }
0x69: {  	[sflag:s9] =	ssyncadd.s32 $0xFFFFE000  }
0x6a: {  	s2 =	sadd.s32 $0xFFFFFFFF, s0;
	_ =	swait.ge [sflag:s9], $0x2000  }
.LBB2_1:
0x6b: {  	s0 =	rddreg [dreg:$0x7]  }
0x6c: {  	s1 =	rddreg [dreg:$0x6]  }
0x6d: {  	[sflag:s9] =	ssyncset.done $0x0;
	s13 =	rddreg [dreg:$0x5]  }
0x6e: {  	s15 =	rddreg [dreg:$0x10];
	[sflag:s9] =	ssyncadd.s32 $0xFFFFE000  }
0x6f: {  	[tilespmem:s4], [sflag:$0xA] =	stream.linear.gather [hbm4b:s13+s4], $0x200, $0x38;
	[tilespmem:$0x12140] =	vst v63  }
0x70: {  	[spmem:s15], [sflag:s0] =	dma.local [hbm:s1], s6  }
0x71: {  	_ =	swait.ge [sflag:s7], $0x200  }
0x72: {  	[sflag:s7] =	ssyncset.done $0x0  }
0x73: {  	[sflag:s7] =	ssyncadd.s32 $0xFFFFFE00  }
0x74: {  	s1 =	rddreg [dreg:$0x0]  }
0x75: {  	[tilespmem:s10], [sflag:$0x1] =	stream.indirect.gather [hbm4b:s1+s8], $0x80, s4, s8, $0xb8;
	[tilespmem:$0x12140] =	vst v63  }
0x76: {  	_ =	swait.ge [sflag:s9], s6  }
0x77: {  	s13 =	rddreg [dreg:$0x8];
	[sflag:s9] =	ssyncset.done $0x0  }
0x78: {  	[sflag:s9] =	ssyncadd.s32 s13  }
0x79: {  	[bflag:$0x0] =	sbarrier.arrive $0xFFFF  }
0x7a: {  	[tilespmem:s11], [sflag:$0x2] =	stream.indirect.gather [spmem:s3], $0x80, s8, s8, $0xb8;
	[tilespmem:$0x12140] =	vst v63  }
0x7b: {  	s15 =	rddreg [dreg:$0x11]  }
0x7c: {  	[tilespmem:s12], [sflag:$0x3] =	stream.indirect.gather [spmem:s3], $0x80, s15, s8, $0xb8;
	[tilespmem:$0x12140] =	vst v63  }
0x7d: {  	s1 =	simm.s32 $0xC0  }
0x7e: {  	[tilespmem:s14], [sflag:$0x4] =	stream.indirect.gather [spmem:s3], $0x80, s1, s8, $0xb8;
	[tilespmem:$0x12140] =	vst v63  }
0x7f: {  	s13 =	simm.s32 $0x100  }
0x80: {  	[tilespmem:s16], [sflag:$0x5] =	stream.indirect.gather [spmem:s3], $0x80, s13, s8, $0xb8;
	[tilespmem:$0x12140] =	vst v63  }
0x81: {  	_ = 	snop  }
0x82: {  	[tilespmem:s18], [sflag:$0x6] =	stream.indirect.gather [spmem:s3], $0x80, s17, s8, $0xb8;
	[tilespmem:$0x12140] =	vst v63  }
0x83: {  	_ = 	snop  }
0x84: {  	[tilespmem:s20], [sflag:$0x7] =	stream.indirect.gather [spmem:s3], $0x80, s19, s8, $0xb8;
	[tilespmem:$0x12140] =	vst v63  }
0x85: {  	_ = 	snop  }
0x86: {  	[tilespmem:s22], [sflag:$0x8] =	stream.indirect.gather [spmem:s3], $0x80, s21, s8, $0xb8;
	[tilespmem:$0x12140] =	vst v63  }
0x87: {  	_ =	swait.ge [sflag:s23], $0x2000  }
0x88: {  	[sflag:s23] =	ssyncset.done $0x0  }
0x89: {  	[sflag:s23] =	ssyncadd.s32 $0xFFFFE000  }
0x8a: {  	[hbm4b:s5+s4] =	stream.linear.scatter [tilespmem:s10], [sflag:$0x9], $0x2000, $0x38;
	[tilespmem:$0x12140] =	vst v63  }
0x8b: {  	_ =	swait.ge [sflag:s24], $0x2000  }
0x8c: {  	[sflag:s24] =	ssyncset.done $0x0  }
0x8d: {  	s15 =	rddreg [dreg:$0x9];
	[sflag:s24] =	ssyncadd.s32 $0xFFFFE000  }
0x8e: {  	[hbm4b:s15+s4] =	stream.linear.scatter [tilespmem:s11], [sflag:$0x9], $0x2000, $0x38;
	[tilespmem:$0x12140] =	vst v63  }
0x8f: {  	_ =	swait.ge [sflag:s25], $0x2000  }
0x90: {  	[sflag:s25] =	ssyncset.done $0x0  }
0x91: {  	s1 =	rddreg [dreg:$0xa];
	[sflag:s25] =	ssyncadd.s32 $0xFFFFE000  }
0x92: {  	[hbm4b:s1+s4] =	stream.linear.scatter [tilespmem:s12], [sflag:$0x9], $0x2000, $0x38;
	[tilespmem:$0x12140] =	vst v63  }
0x93: {  	_ =	swait.ge [sflag:s26], $0x2000  }
0x94: {  	[sflag:s26] =	ssyncset.done $0x0  }
0x95: {  	s13 =	rddreg [dreg:$0xb];
	[sflag:s26] =	ssyncadd.s32 $0xFFFFE000  }
0x96: {  	[hbm4b:s13+s4] =	stream.linear.scatter [tilespmem:s14], [sflag:$0x9], $0x2000, $0x38;
	[tilespmem:$0x12140] =	vst v63  }
0x97: {  	_ =	swait.ge [sflag:s28], $0x2000  }
0x98: {  	[sflag:s28] =	ssyncset.done $0x0  }
0x99: {  	s15 =	rddreg [dreg:$0xc];
	[sflag:s28] =	ssyncadd.s32 $0xFFFFE000  }
0x9a: {  	[hbm4b:s15+s4] =	stream.linear.scatter [tilespmem:s16], [sflag:$0x9], $0x2000, $0x38;
	[tilespmem:$0x12140] =	vst v63  }
0x9b: {  	_ =	swait.ge [sflag:s29], $0x2000  }
0x9c: {  	[sflag:s29] =	ssyncset.done $0x0  }
0x9d: {  	s1 =	rddreg [dreg:$0xd];
	[sflag:s29] =	ssyncadd.s32 $0xFFFFE000  }
0x9e: {  	[hbm4b:s1+s4] =	stream.linear.scatter [tilespmem:s18], [sflag:$0x9], $0x2000, $0x38;
	[tilespmem:$0x12140] =	vst v63  }
0x9f: {  	_ =	swait.ge [sflag:s30], $0x2000  }
0xa0: {  	[sflag:s30] =	ssyncset.done $0x0  }
0xa1: {  	s13 =	rddreg [dreg:$0xe];
	[sflag:s30] =	ssyncadd.s32 $0xFFFFE000  }
0xa2: {  	[hbm4b:s13+s4] =	stream.linear.scatter [tilespmem:s20], [sflag:$0x9], $0x2000, $0x38;
	[tilespmem:$0x12140] =	vst v63  }
0xa3: {  	_ =	swait.ge [sflag:s31], $0x2000  }
0xa4: {  	[sflag:s31] =	ssyncset.done $0x0  }
0xa5: {  	s15 =	rddreg [dreg:$0xf];
	[sflag:s31] =	ssyncadd.s32 $0xFFFFE000  }
0xa6: {  	[hbm4b:s15+s4] =	stream.linear.scatter [tilespmem:s22], [sflag:$0x9], $0x2000, $0x38;
	[tilespmem:$0x12140] =	vst v63  }
0xa7: {  	_ =	swait.ge [sflag:s9], $0x2000  }
0xa8: {  	[sflag:s9] =	ssyncset.done $0x0  }
0xa9: {  	[sflag:s9] =	ssyncadd.s32 $0xFFFFE000  }
0xaa: {  	_ =	swait.ge [sflag:s9], $0x2000  }
0xab: {  	[sflag:s9] =	ssyncset.done $0x0  }
0xac: {  	[sflag:s9] =	ssyncadd.s32 $0xFFFFE000  }
0xad: {  	_ =	swait.ge [sflag:s9], $0x2000  }
0xae: {  	[sflag:s9] =	ssyncset.done $0x0  }
0xaf: {  	[sflag:s9] =	ssyncadd.s32 $0xFFFFE000  }
0xb0: {  	_ =	swait.ge [sflag:s9], $0x2000  }
0xb1: {  	[sflag:s9] =	ssyncset.done $0x0  }
0xb2: {  	[sflag:s9] =	ssyncadd.s32 $0xFFFFE000  }
0xb3: {  	_ =	swait.ge [sflag:s9], $0x2000  }
0xb4: {  	[sflag:s9] =	ssyncset.done $0x0  }
0xb5: {  	[sflag:s9] =	ssyncadd.s32 $0xFFFFE000  }
0xb6: {  	_ =	swait.ge [sflag:s9], $0x2000  }
0xb7: {  	p0 =	sne.s32 s2, $0x1;
	[sflag:s9] =	ssyncset.done $0x0  }
.Ltmp1:
0xb8: {  	[sflag:s9] =	ssyncadd.s32 $0xFFFFE000;
	(pc) =	sbr.rel @p0 .LBB2_1-.Ltmp1, $4  }
0xb9: {  	_ =	swait.ge [sflag:s9], $0x2000  }
0xba: {  	[sflag:s9] =	ssyncset.done $0x0  }
0xbb: {  	[sflag:s9] =	ssyncadd.s32 $0xFFFFE000  }
0xbc: {  	s2 =	sadd.s32 $0xFFFFFFFF, s2;
	_ =	swait.ge [sflag:s9], $0x2000  }
.LBB2_2:
0xbd: {  	[sflag:s9] =	ssyncset.done $0x0  }
0xbe: {  	[sflag:s9] =	ssyncadd.s32 $0xFFFFE000  }
0xbf: {  	_ =	sfence.sel $0x180000  }
0xc0: {  	[bflag:$0x0] =	sbarrier.arrive $0xFFFF  }
0xc1: {  	_ =	strace $0x90000047  }
0xc2: {  	s0 =	stileid.u32;
	[bflag:$0x2] =	sbarrier.arrive $0xFFFF  }
0xc3: {  	p0 =	sne.s32 s0, $0x0;
	s0 =	rddreg [dreg:$0x4]  }
0xc4: {  	s0 =	sadd.s32 @!p0 $0x100000, s0  }
0xc5: {  	[sflag:s0] =	ssyncadd.tile.s32 @!p0 $0x1;
	_ =	shalt  }
.Lfunc_end2:
_tile_overlayer_lowered:
.L_overlay_start_2:
0xc6: {  	(tag) =	ssettag $0x2  }
0xc7: {  	s0 =	rddreg [dreg:$0x0];
	s2 =	stileid.u32  }
0xc8: {  	s1 =	rddreg [dreg:$0x1];
	p0 =	sne.s32 s2, $0x0  }
0xc9: {  	s3 =	rddreg [dreg:$0x2];
	[bflag:$0x3] =	sbarrier.arrive $0xFFFF;
	s2 =	simm.s32 @!p0 $0x1C0B  }
0xca: {  	[timem:s3], [sflag:s2] =	dma.local @!p0 [hbm:s0], s1  }
0xcb: {  	s0 =	simm.s32 @!p0 $0xB  }
0xcc: {  	_ =	swait.ge @!p0 [sflag:s0], s1  }
0xcd: {  	s1 =	ssub.s32 @!p0 $0x0, s1;
	[sflag:s0] =	ssyncset.done @!p0 $0x0  }
0xce: {  	[sflag:s0] =	ssyncadd.s32 @!p0 s1  }
0xcf: {  	[bflag:$0x3] =	sbarrier.arrive $0xFFFF  }
0xd0: {  	_ =	shalt  }

</sc_bundles>
